<compile_context>
chip_gen: v7x
topology: tpu7x:2x2x1
jax: 0.10.2.dev20260603
libtpu: 0.0.44.dev20260713+nightly
codegen_flags: <defaults>
</compile_context>

<pallas_src>
import functools

import jax
import jax.numpy as jnp
from jax import lax
from jax.experimental import pallas as pl
from jax.experimental.pallas import tpu as pltpu
from jax.experimental.pallas import tpu_sc as plsc

VOCAB = 50358
HIDDEN = 768
BATCH = 4
SEQ = 4096
EPS = 1e-12

NC = 2
NS = 16
NW = NC * NS
ROWS = BATCH * SEQ

NSLAB = 2
CSEQ = SEQ // NSLAB
CROWS = BATCH * CSEQ
BPW = CROWS // NW
CHUNK = 64
NCHUNK = BPW // CHUNK


def _sc_gather(table, ids, slab):
    mesh = plsc.VectorSubcoreMesh(core_axis_name="c", subcore_axis_name="s")
    nper = CSEQ // BPW

    @functools.partial(
        pl.kernel,
        mesh=mesh,
        out_type=jax.ShapeDtypeStruct((CROWS, HIDDEN), jnp.float32),
        scratch_types=[
            pltpu.VMEM((BPW,), jnp.int32),
            pltpu.VMEM((CHUNK, HIDDEN), jnp.float32),
            pltpu.VMEM((CHUNK, HIDDEN), jnp.float32),
            pltpu.SemaphoreType.DMA,
            pltpu.SemaphoreType.DMA,
        ],
    )
    def k(table_hbm, idx_hbm, out_hbm, idx_v, buf0, buf1, sem0, sem1):
        wid = lax.axis_index("s") * NC + lax.axis_index("c")
        base = wid * BPW
        b = wid // nper
        s0 = slab * CSEQ + (wid % nper) * BPW
        pltpu.sync_copy(idx_hbm.at[b, pl.ds(s0, BPW)], idx_v)
        bufs = (buf0, buf1)
        sems = (sem0, sem1)
        handles = [None, None]

        def chunk_idx(i):
            return idx_v.at[pl.ds(i * CHUNK, CHUNK)]

        handles[0] = pltpu.async_copy(table_hbm.at[chunk_idx(0)], buf0, sem0)
        for i in range(NCHUNK):
            cur = i % 2
            nxt = 1 - cur
            if i + 1 < NCHUNK:
                handles[nxt] = pltpu.async_copy(
                    table_hbm.at[chunk_idx(i + 1)], bufs[nxt], sems[nxt]
                )
            handles[cur].wait()
            pltpu.sync_copy(bufs[cur], out_hbm.at[pl.ds(base + i * CHUNK, CHUNK)])

    return k(table, ids)


RB = 1024
NSB = SEQ // RB
SLAB_NSB = CSEQ // RB


def _tc_body(g_ref, pos_ref, ttf_ref, tt_ref, gamma_ref, beta_ref, o_ref):
    x = g_ref[...] + pos_ref[...]
    tt0 = tt_ref[0:1, :]
    tt1 = tt_ref[1:2, :]
    x = x + tt0 + ttf_ref[...].astype(jnp.float32) * (tt1 - tt0)
    mean = jnp.mean(x, axis=1, keepdims=True)
    xc = x - mean
    var = jnp.mean(xc * xc, axis=1, keepdims=True)
    normed = xc * lax.rsqrt(var + EPS)
    o_ref[...] = normed * gamma_ref[...] + beta_ref[...]


def _tc_body_alias(g_ref, pos_ref, ttf_ref, tt_ref, gamma_ref, beta_ref,
                   prev_ref, o_ref):
    del prev_ref
    _tc_body(g_ref, pos_ref, ttf_ref, tt_ref, gamma_ref, beta_ref, o_ref)


def _tc_slab(c, gathered_c, pos, ttf, tt_table, gamma, beta, prev):
    in_specs = [
        pl.BlockSpec((RB, HIDDEN), lambda a, b: (b * SLAB_NSB + a, 0)),
        pl.BlockSpec((RB, HIDDEN), lambda a, b: (c * SLAB_NSB + a, 0)),
        pl.BlockSpec((RB, 1), lambda a, b: (b * NSB + c * SLAB_NSB + a, 0)),
        pl.BlockSpec((2, HIDDEN), lambda a, b: (0, 0)),
        pl.BlockSpec((1, HIDDEN), lambda a, b: (0, 0)),
        pl.BlockSpec((1, HIDDEN), lambda a, b: (0, 0)),
    ]
    args = [gathered_c, pos, ttf, tt_table, gamma, beta]
    aliases = {}
    body = _tc_body
    if prev is not None:
        in_specs.append(pl.BlockSpec(memory_space=pltpu.MemorySpace.HBM))
        args.append(prev)
        aliases = {6: 0}
        body = _tc_body_alias
    return pl.pallas_call(
        body,
        grid=(SLAB_NSB, BATCH),
        in_specs=in_specs,
        out_specs=pl.BlockSpec(
            (RB, HIDDEN), lambda a, b: (b * NSB + c * SLAB_NSB + a, 0)
        ),
        out_shape=jax.ShapeDtypeStruct((ROWS, HIDDEN), jnp.float32),
        input_output_aliases=aliases,
        compiler_params=pltpu.CompilerParams(
            dimension_semantics=("arbitrary", "arbitrary"),
        ),
    )(*args)


def kernel(input_ids, token_type_ids, weight, token_type_embeddings,
           position_embeddings, ln_gamma, ln_beta):
    ids = input_ids.astype(jnp.int32)
    ttf = token_type_ids.astype(jnp.int8).reshape(ROWS, 1)
    gamma = jnp.reshape(ln_gamma, (1, HIDDEN))
    beta = jnp.reshape(ln_beta, (1, HIDDEN))

    gathered = [_sc_gather(weight, ids, c) for c in range(NSLAB)]
    out = None
    for c in range(NSLAB):
        out = _tc_slab(c, gathered[c], position_embeddings, ttf,
                       token_type_embeddings, gamma, beta, out)
    return out.reshape(BATCH, SEQ, HIDDEN)

# --- scband reference (transcript-rebuilt; emitter-appended) ---
"""Pipeline reference for scband-tfbig-bird-embeddings-87488483819918 (READ-ONLY COPY).

The authoritative reference and input builder live on the scoring server;
editing this copy changes nothing except your own understanding.
"""

import jax, jax.numpy as jnp
import numpy as np

VOCAB = 50358
TYPE_VOCAB = 2
HIDDEN = 768
MAX_POS = 4096
BATCH = 4
SEQ = 4096
EPS = 1e-12


def setup_inputs(seed: int = 0) -> dict:
    key = jax.random.key(seed)
    k1, k2, k3, k4, k5 = jax.random.split(key, 5)
    input_ids = jax.random.randint(k1, (BATCH, SEQ), 0, VOCAB, dtype=jnp.int64 if jax.config.jax_enable_x64 else jnp.int32)
    token_type_ids = jax.random.randint(k2, (BATCH, SEQ), 0, TYPE_VOCAB, dtype=input_ids.dtype)
    weight = jax.random.normal(k3, (VOCAB, HIDDEN), dtype=jnp.float32) * 0.02
    token_type_embeddings = jax.random.normal(k4, (TYPE_VOCAB, HIDDEN), dtype=jnp.float32) * 0.02
    position_embeddings = jax.random.normal(k5, (MAX_POS, HIDDEN), dtype=jnp.float32) * 0.02
    ln_gamma = jnp.ones((HIDDEN,), dtype=jnp.float32)
    ln_beta = jnp.zeros((HIDDEN,), dtype=jnp.float32)
    return {
        "input_ids": input_ids,
        "token_type_ids": token_type_ids,
        "weight": weight,
        "token_type_embeddings": token_type_embeddings,
        "position_embeddings": position_embeddings,
        "ln_gamma": ln_gamma,
        "ln_beta": ln_beta,
    }


def reference(input_ids, token_type_ids, weight, token_type_embeddings, position_embeddings, ln_gamma, ln_beta):
    # word embedding gather
    inputs_embeds = jnp.take(weight, input_ids, axis=0)  # [B, S, H]
    seq_len = input_ids.shape[1]
    past_key_values_length = 0
    position_ids = jnp.arange(past_key_values_length, seq_len + past_key_values_length)[None, :]  # [1, S]
    position_embeds = jnp.take(position_embeddings, position_ids, axis=0)  # [1, S, H]
    token_type_embeds = jnp.take(token_type_embeddings, token_type_ids, axis=0)  # [B, S, H]
    final = inputs_embeds + position_embeds + token_type_embeds
    # LayerNorm over last axis (eps=1e-12)
    mean = jnp.mean(final, axis=-1, keepdims=True)
    var = jnp.mean(jnp.square(final - mean), axis=-1, keepdims=True)
    normed = (final - mean) / jnp.sqrt(var + EPS)
    out = normed * ln_gamma + ln_beta
    # dropout is identity in eval mode
    return out

if __name__ == "__main__":
    import jax
    _d = setup_inputs()
    print(jax.jit(kernel)(*tuple(_d.values())))

</pallas_src>

<mosaic_0001>
#map = affine_map<(d0, d1) -> (0, 0)>
module attributes {stable_mosaic.version = 14 : i64} {
  func.func @k(%arg0: i32, %arg1: i32, %arg2: memref<50358x768xf32, #tpu.memory_space<hbm>>, %arg3: memref<4x4096xi32, #tpu.memory_space<hbm>>, %arg4: memref<8192x768xf32, #tpu.memory_space<hbm>>, %arg5: memref<256xi32, #tpu.memory_space<vmem>>, %arg6: memref<64x768xf32, #tpu.memory_space<vmem>>, %arg7: memref<64x768xf32, #tpu.memory_space<vmem>>, %arg8: memref<!tpu.dma_semaphore, #tpu.memory_space<semaphore_mem>>, %arg9: memref<!tpu.dma_semaphore, #tpu.memory_space<semaphore_mem>>) attributes {dimension_semantics = [#tpu.dimension_semantics<core_parallel>, #tpu.dimension_semantics<subcore_parallel>], iteration_bounds = array<i64: 2, 16>, scalar_prefetch = 0 : i64, scratch_operands = 5 : i64, tpu.core_type = #tpu.core_type<sc_vector_subcore>, window_params = [{transform_indices = #map}, {transform_indices = #map}, {transform_indices = #map}]} {
    %mul3A = arith.constant 2 : i32
    %mul3A_0 = arith.muli %arg1, %mul3A : i32
    %add3A = arith.addi %mul3A_0, %arg0 : i32
    %mul3A_1 = arith.constant 256 : i32
    %mul3A_2 = arith.muli %add3A, %mul3A_1 : i32
    %jit3A = arith.constant 8 : i32
    %div3A = arith.divsi %add3A, %jit3A : i32
    %sign3A = arith.constant 0 : i32
    %sign3A_3 = arith.cmpi sgt, %add3A, %sign3A : i32
    %sign3A_4 = arith.extui %sign3A_3 : i1 to i32
    %sign3A_5 = arith.constant 0 : i32
    %sign3A_6 = arith.cmpi slt, %add3A, %sign3A_5 : i32
    %sign3A_7 = arith.extui %sign3A_6 : i1 to i32
    %sign3A_8 = arith.subi %sign3A_4, %sign3A_7 : i32
    %sign3A_9 = arith.constant 0 : i32
    %sign3A_10 = arith.cmpi sgt, %jit3A, %sign3A_9 : i32
    %sign3A_11 = arith.extui %sign3A_10 : i1 to i32
    %sign3A_12 = arith.constant 0 : i32
    %sign3A_13 = arith.cmpi slt, %jit3A, %sign3A_12 : i32
    %sign3A_14 = arith.extui %sign3A_13 : i1 to i32
    %sign3A_15 = arith.subi %sign3A_11, %sign3A_14 : i32
    %ne3A = arith.cmpi ne, %sign3A_8, %sign3A_15 : i32
    %rem3A = arith.remsi %add3A, %jit3A : i32
    %ne3A_16 = arith.constant 0 : i32
    %ne3A_17 = arith.cmpi ne, %rem3A, %ne3A_16 : i32
    %and3A = arith.andi %ne3A, %ne3A_17 : i1
    %sub3A = arith.constant 1 : i32
    %sub3A_18 = arith.subi %div3A, %sub3A : i32
    %select_n3A = arith.select %and3A, %sub3A_18, %div3A : i32
    %jit3A_19 = arith.constant 8 : i32
    %eq3A = arith.constant 0 : i32
    %eq3A_20 = arith.cmpi eq, %jit3A_19, %eq3A : i32
    %jit3A_21 = arith.constant 1 : i32
    %select_n3A_22 = arith.select %eq3A_20, %jit3A_21, %jit3A_19 : i32
    %rem3A_23 = arith.remsi %add3A, %select_n3A_22 : i32
    %ne3A_24 = arith.constant 0 : i32
    %ne3A_25 = arith.cmpi ne, %rem3A_23, %ne3A_24 : i32
    %lt3A = arith.constant 0 : i32
    %lt3A_26 = arith.cmpi slt, %rem3A_23, %lt3A : i32
    %lt3A_27 = arith.constant 0 : i32
    %lt3A_28 = arith.cmpi slt, %select_n3A_22, %lt3A_27 : i32
    %ne3A_29 = arith.xori %lt3A_26, %lt3A_28 : i1
    %and3A_30 = arith.andi %ne3A_29, %ne3A_25 : i1
    %add3A_31 = arith.addi %rem3A_23, %select_n3A_22 : i32
    %select_n3A_32 = arith.select %and3A_30, %add3A_31, %rem3A_23 : i32
    %mul3A_33 = arith.constant 256 : i32
    %mul3A_34 = arith.muli %select_n3A_32, %mul3A_33 : i32
    %add3A_35 = arith.constant 2048 : i32
    %add3A_36 = arith.addi %add3A_35, %mul3A_34 : i32
    "tpu.region"() ({
      %run_scoped3A = tpu.sem_alloc : memref<!tpu.dma_semaphore, #tpu.memory_space<semaphore_mem>>
      %dma_start3A_83 = tpu.memref_slice %arg3[%select_n3A, %add3A_36] : memref<4x4096xi32, #tpu.memory_space<hbm>> -> memref<1x256xi32, #tpu.memory_space<hbm>>
      %dma_start3A_84 = tpu.memref_squeeze %dma_start3A_83 : memref<1x256xi32, #tpu.memory_space<hbm>> -> memref<256xi32, #tpu.memory_space<hbm>>
      %dma_start3A_85 = tpu.memref_slice %arg3[%select_n3A, %add3A_36] : memref<4x4096xi32, #tpu.memory_space<hbm>> -> memref<1x256xi32, #tpu.memory_space<hbm>>
      %dma_start3A_86 = tpu.memref_squeeze %dma_start3A_85 : memref<1x256xi32, #tpu.memory_space<hbm>> -> memref<256xi32, #tpu.memory_space<hbm>>
      tpu.enqueue_dma source(%dma_start3A_86 : memref<256xi32, #tpu.memory_space<hbm>>) target(%arg5 : memref<256xi32, #tpu.memory_space<vmem>>) target_semaphore(%run_scoped3A : memref<!tpu.dma_semaphore, #tpu.memory_space<semaphore_mem>>)
      %dma_wait3A_87 = tpu.memref_slice %arg3[%select_n3A, %add3A_36] : memref<4x4096xi32, #tpu.memory_space<hbm>> -> memref<1x256xi32, #tpu.memory_space<hbm>>
      %dma_wait3A_88 = tpu.memref_squeeze %dma_wait3A_87 : memref<1x256xi32, #tpu.memory_space<hbm>> -> memref<256xi32, #tpu.memory_space<hbm>>
      %dma_wait3A_89 = tpu.memref_slice %arg3[%select_n3A, %add3A_36] : memref<4x4096xi32, #tpu.memory_space<hbm>> -> memref<1x256xi32, #tpu.memory_space<hbm>>
      %dma_wait3A_90 = tpu.memref_squeeze %dma_wait3A_89 : memref<1x256xi32, #tpu.memory_space<hbm>> -> memref<256xi32, #tpu.memory_space<hbm>>
      tpu.wait_dma2 semaphore(%run_scoped3A : memref<!tpu.dma_semaphore, #tpu.memory_space<semaphore_mem>>) src(%dma_wait3A_90 : memref<256xi32, #tpu.memory_space<hbm>>) dst(%arg5 : memref<256xi32, #tpu.memory_space<vmem>>)
      tpu.yield
    }) : () -> ()
    %dma_start3A = arith.constant 0 : i32
    %dma_start3A_37 = tpu.memref_slice %arg5[%dma_start3A] : memref<256xi32, #tpu.memory_space<vmem>> -> memref<64xi32, #tpu.memory_space<vmem>>
    %dma_start3A_38 = arith.constant 0 : i32
    %dma_start3A_39 = arith.constant 0 : i32
    %dma_start3A_40 = tpu.memref_slice %arg2[%dma_start3A_38, %dma_start3A_39] : memref<50358x768xf32, #tpu.memory_space<hbm>> -> memref<50358x768xf32, #tpu.memory_space<hbm>>
    tpu.enqueue_indirect_dma source(%dma_start3A_40 : memref<50358x768xf32, #tpu.memory_space<hbm>>) target(%arg6 : memref<64x768xf32, #tpu.memory_space<vmem>>) offsets(%dma_start3A_37 : memref<64xi32, #tpu.memory_space<vmem>>) semaphore(%arg8 : memref<!tpu.dma_semaphore, #tpu.memory_space<semaphore_mem>>)
    %dma_start3A_41 = arith.constant 64 : i32
    %dma_start3A_42 = tpu.memref_slice %arg5[%dma_start3A_41] : memref<256xi32, #tpu.memory_space<vmem>> -> memref<64xi32, #tpu.memory_space<vmem>>
    %dma_start3A_43 = arith.constant 0 : i32
    %dma_start3A_44 = arith.constant 0 : i32
    %dma_start3A_45 = tpu.memref_slice %arg2[%dma_start3A_43, %dma_start3A_44] : memref<50358x768xf32, #tpu.memory_space<hbm>> -> memref<50358x768xf32, #tpu.memory_space<hbm>>
    tpu.enqueue_indirect_dma source(%dma_start3A_45 : memref<50358x768xf32, #tpu.memory_space<hbm>>) target(%arg7 : memref<64x768xf32, #tpu.memory_space<vmem>>) offsets(%dma_start3A_42 : memref<64xi32, #tpu.memory_space<vmem>>) semaphore(%arg9 : memref<!tpu.dma_semaphore, #tpu.memory_space<semaphore_mem>>)
    %dma_wait3A = arith.constant 0 : i32
    %dma_wait3A_46 = tpu.memref_slice %arg5[%dma_wait3A] : memref<256xi32, #tpu.memory_space<vmem>> -> memref<64xi32, #tpu.memory_space<vmem>>
    %dma_wait3A_47 = arith.constant 0 : i32
    %dma_wait3A_48 = arith.constant 0 : i32
    %dma_wait3A_49 = tpu.memref_slice %arg2[%dma_wait3A_47, %dma_wait3A_48] : memref<50358x768xf32, #tpu.memory_space<hbm>> -> memref<50358x768xf32, #tpu.memory_space<hbm>>
    tpu.wait_indirect_dma semaphore(%arg8 : memref<!tpu.dma_semaphore, #tpu.memory_space<semaphore_mem>>) src(%dma_wait3A_49 : memref<50358x768xf32, #tpu.memory_space<hbm>>) dst(%arg6 : memref<64x768xf32, #tpu.memory_space<vmem>>)
    %add3A_50 = arith.constant 0 : i32
    %add3A_51 = arith.addi %mul3A_2, %add3A_50 : i32
    "tpu.region"() ({
      %run_scoped3A = tpu.sem_alloc : memref<!tpu.dma_semaphore, #tpu.memory_space<semaphore_mem>>
      %dma_start3A_83 = arith.constant 0 : i32
      %dma_start3A_84 = tpu.memref_slice %arg4[%add3A_51, %dma_start3A_83] : memref<8192x768xf32, #tpu.memory_space<hbm>> -> memref<64x768xf32, #tpu.memory_space<hbm>>
      %dma_start3A_85 = arith.constant 0 : i32
      %dma_start3A_86 = tpu.memref_slice %arg4[%add3A_51, %dma_start3A_85] : memref<8192x768xf32, #tpu.memory_space<hbm>> -> memref<64x768xf32, #tpu.memory_space<hbm>>
      tpu.enqueue_dma source(%arg6 : memref<64x768xf32, #tpu.memory_space<vmem>>) target(%dma_start3A_86 : memref<64x768xf32, #tpu.memory_space<hbm>>) target_semaphore(%run_scoped3A : memref<!tpu.dma_semaphore, #tpu.memory_space<semaphore_mem>>)
      %dma_wait3A_87 = arith.constant 0 : i32
      %dma_wait3A_88 = tpu.memref_slice %arg4[%add3A_51, %dma_wait3A_87] : memref<8192x768xf32, #tpu.memory_space<hbm>> -> memref<64x768xf32, #tpu.memory_space<hbm>>
      %dma_wait3A_89 = arith.constant 0 : i32
      %dma_wait3A_90 = tpu.memref_slice %arg4[%add3A_51, %dma_wait3A_89] : memref<8192x768xf32, #tpu.memory_space<hbm>> -> memref<64x768xf32, #tpu.memory_space<hbm>>
      tpu.wait_dma2 semaphore(%run_scoped3A : memref<!tpu.dma_semaphore, #tpu.memory_space<semaphore_mem>>) src(%arg6 : memref<64x768xf32, #tpu.memory_space<vmem>>) dst(%dma_wait3A_90 : memref<64x768xf32, #tpu.memory_space<hbm>>)
      tpu.yield
    }) : () -> ()
    %dma_start3A_52 = arith.constant 128 : i32
    %dma_start3A_53 = tpu.memref_slice %arg5[%dma_start3A_52] : memref<256xi32, #tpu.memory_space<vmem>> -> memref<64xi32, #tpu.memory_space<vmem>>
    %dma_start3A_54 = arith.constant 0 : i32
    %dma_start3A_55 = arith.constant 0 : i32
    %dma_start3A_56 = tpu.memref_slice %arg2[%dma_start3A_54, %dma_start3A_55] : memref<50358x768xf32, #tpu.memory_space<hbm>> -> memref<50358x768xf32, #tpu.memory_space<hbm>>
    tpu.enqueue_indirect_dma source(%dma_start3A_56 : memref<50358x768xf32, #tpu.memory_space<hbm>>) target(%arg6 : memref<64x768xf32, #tpu.memory_space<vmem>>) offsets(%dma_start3A_53 : memref<64xi32, #tpu.memory_space<vmem>>) semaphore(%arg8 : memref<!tpu.dma_semaphore, #tpu.memory_space<semaphore_mem>>)
    %dma_wait3A_57 = arith.constant 64 : i32
    %dma_wait3A_58 = tpu.memref_slice %arg5[%dma_wait3A_57] : memref<256xi32, #tpu.memory_space<vmem>> -> memref<64xi32, #tpu.memory_space<vmem>>
    %dma_wait3A_59 = arith.constant 0 : i32
    %dma_wait3A_60 = arith.constant 0 : i32
    %dma_wait3A_61 = tpu.memref_slice %arg2[%dma_wait3A_59, %dma_wait3A_60] : memref<50358x768xf32, #tpu.memory_space<hbm>> -> memref<50358x768xf32, #tpu.memory_space<hbm>>
    tpu.wait_indirect_dma semaphore(%arg9 : memref<!tpu.dma_semaphore, #tpu.memory_space<semaphore_mem>>) src(%dma_wait3A_61 : memref<50358x768xf32, #tpu.memory_space<hbm>>) dst(%arg7 : memref<64x768xf32, #tpu.memory_space<vmem>>)
    %add3A_62 = arith.constant 64 : i32
    %add3A_63 = arith.addi %mul3A_2, %add3A_62 : i32
    "tpu.region"() ({
      %run_scoped3A = tpu.sem_alloc : memref<!tpu.dma_semaphore, #tpu.memory_space<semaphore_mem>>
      %dma_start3A_83 = arith.constant 0 : i32
      %dma_start3A_84 = tpu.memref_slice %arg4[%add3A_63, %dma_start3A_83] : memref<8192x768xf32, #tpu.memory_space<hbm>> -> memref<64x768xf32, #tpu.memory_space<hbm>>
      %dma_start3A_85 = arith.constant 0 : i32
      %dma_start3A_86 = tpu.memref_slice %arg4[%add3A_63, %dma_start3A_85] : memref<8192x768xf32, #tpu.memory_space<hbm>> -> memref<64x768xf32, #tpu.memory_space<hbm>>
      tpu.enqueue_dma source(%arg7 : memref<64x768xf32, #tpu.memory_space<vmem>>) target(%dma_start3A_86 : memref<64x768xf32, #tpu.memory_space<hbm>>) target_semaphore(%run_scoped3A : memref<!tpu.dma_semaphore, #tpu.memory_space<semaphore_mem>>)
      %dma_wait3A_87 = arith.constant 0 : i32
      %dma_wait3A_88 = tpu.memref_slice %arg4[%add3A_63, %dma_wait3A_87] : memref<8192x768xf32, #tpu.memory_space<hbm>> -> memref<64x768xf32, #tpu.memory_space<hbm>>
      %dma_wait3A_89 = arith.constant 0 : i32
      %dma_wait3A_90 = tpu.memref_slice %arg4[%add3A_63, %dma_wait3A_89] : memref<8192x768xf32, #tpu.memory_space<hbm>> -> memref<64x768xf32, #tpu.memory_space<hbm>>
      tpu.wait_dma2 semaphore(%run_scoped3A : memref<!tpu.dma_semaphore, #tpu.memory_space<semaphore_mem>>) src(%arg7 : memref<64x768xf32, #tpu.memory_space<vmem>>) dst(%dma_wait3A_90 : memref<64x768xf32, #tpu.memory_space<hbm>>)
      tpu.yield
    }) : () -> ()
    %dma_start3A_64 = arith.constant 192 : i32
    %dma_start3A_65 = tpu.memref_slice %arg5[%dma_start3A_64] : memref<256xi32, #tpu.memory_space<vmem>> -> memref<64xi32, #tpu.memory_space<vmem>>
    %dma_start3A_66 = arith.constant 0 : i32
    %dma_start3A_67 = arith.constant 0 : i32
    %dma_start3A_68 = tpu.memref_slice %arg2[%dma_start3A_66, %dma_start3A_67] : memref<50358x768xf32, #tpu.memory_space<hbm>> -> memref<50358x768xf32, #tpu.memory_space<hbm>>
    tpu.enqueue_indirect_dma source(%dma_start3A_68 : memref<50358x768xf32, #tpu.memory_space<hbm>>) target(%arg7 : memref<64x768xf32, #tpu.memory_space<vmem>>) offsets(%dma_start3A_65 : memref<64xi32, #tpu.memory_space<vmem>>) semaphore(%arg9 : memref<!tpu.dma_semaphore, #tpu.memory_space<semaphore_mem>>)
    %dma_wait3A_69 = arith.constant 128 : i32
    %dma_wait3A_70 = tpu.memref_slice %arg5[%dma_wait3A_69] : memref<256xi32, #tpu.memory_space<vmem>> -> memref<64xi32, #tpu.memory_space<vmem>>
    %dma_wait3A_71 = arith.constant 0 : i32
    %dma_wait3A_72 = arith.constant 0 : i32
    %dma_wait3A_73 = tpu.memref_slice %arg2[%dma_wait3A_71, %dma_wait3A_72] : memref<50358x768xf32, #tpu.memory_space<hbm>> -> memref<50358x768xf32, #tpu.memory_space<hbm>>
    tpu.wait_indirect_dma semaphore(%arg8 : memref<!tpu.dma_semaphore, #tpu.memory_space<semaphore_mem>>) src(%dma_wait3A_73 : memref<50358x768xf32, #tpu.memory_space<hbm>>) dst(%arg6 : memref<64x768xf32, #tpu.memory_space<vmem>>)
    %add3A_74 = arith.constant 128 : i32
    %add3A_75 = arith.addi %mul3A_2, %add3A_74 : i32
    "tpu.region"() ({
      %run_scoped3A = tpu.sem_alloc : memref<!tpu.dma_semaphore, #tpu.memory_space<semaphore_mem>>
      %dma_start3A_83 = arith.constant 0 : i32
      %dma_start3A_84 = tpu.memref_slice %arg4[%add3A_75, %dma_start3A_83] : memref<8192x768xf32, #tpu.memory_space<hbm>> -> memref<64x768xf32, #tpu.memory_space<hbm>>
      %dma_start3A_85 = arith.constant 0 : i32
      %dma_start3A_86 = tpu.memref_slice %arg4[%add3A_75, %dma_start3A_85] : memref<8192x768xf32, #tpu.memory_space<hbm>> -> memref<64x768xf32, #tpu.memory_space<hbm>>
      tpu.enqueue_dma source(%arg6 : memref<64x768xf32, #tpu.memory_space<vmem>>) target(%dma_start3A_86 : memref<64x768xf32, #tpu.memory_space<hbm>>) target_semaphore(%run_scoped3A : memref<!tpu.dma_semaphore, #tpu.memory_space<semaphore_mem>>)
      %dma_wait3A_87 = arith.constant 0 : i32
      %dma_wait3A_88 = tpu.memref_slice %arg4[%add3A_75, %dma_wait3A_87] : memref<8192x768xf32, #tpu.memory_space<hbm>> -> memref<64x768xf32, #tpu.memory_space<hbm>>
      %dma_wait3A_89 = arith.constant 0 : i32
      %dma_wait3A_90 = tpu.memref_slice %arg4[%add3A_75, %dma_wait3A_89] : memref<8192x768xf32, #tpu.memory_space<hbm>> -> memref<64x768xf32, #tpu.memory_space<hbm>>
      tpu.wait_dma2 semaphore(%run_scoped3A : memref<!tpu.dma_semaphore, #tpu.memory_space<semaphore_mem>>) src(%arg6 : memref<64x768xf32, #tpu.memory_space<vmem>>) dst(%dma_wait3A_90 : memref<64x768xf32, #tpu.memory_space<hbm>>)
      tpu.yield
    }) : () -> ()
    %dma_wait3A_76 = arith.constant 192 : i32
    %dma_wait3A_77 = tpu.memref_slice %arg5[%dma_wait3A_76] : memref<256xi32, #tpu.memory_space<vmem>> -> memref<64xi32, #tpu.memory_space<vmem>>
    %dma_wait3A_78 = arith.constant 0 : i32
    %dma_wait3A_79 = arith.constant 0 : i32
    %dma_wait3A_80 = tpu.memref_slice %arg2[%dma_wait3A_78, %dma_wait3A_79] : memref<50358x768xf32, #tpu.memory_space<hbm>> -> memref<50358x768xf32, #tpu.memory_space<hbm>>
    tpu.wait_indirect_dma semaphore(%arg9 : memref<!tpu.dma_semaphore, #tpu.memory_space<semaphore_mem>>) src(%dma_wait3A_80 : memref<50358x768xf32, #tpu.memory_space<hbm>>) dst(%arg7 : memref<64x768xf32, #tpu.memory_space<vmem>>)
    %add3A_81 = arith.constant 192 : i32
    %add3A_82 = arith.addi %mul3A_2, %add3A_81 : i32
    "tpu.region"() ({
      %run_scoped3A = tpu.sem_alloc : memref<!tpu.dma_semaphore, #tpu.memory_space<semaphore_mem>>
      %dma_start3A_83 = arith.constant 0 : i32
      %dma_start3A_84 = tpu.memref_slice %arg4[%add3A_82, %dma_start3A_83] : memref<8192x768xf32, #tpu.memory_space<hbm>> -> memref<64x768xf32, #tpu.memory_space<hbm>>
      %dma_start3A_85 = arith.constant 0 : i32
      %dma_start3A_86 = tpu.memref_slice %arg4[%add3A_82, %dma_start3A_85] : memref<8192x768xf32, #tpu.memory_space<hbm>> -> memref<64x768xf32, #tpu.memory_space<hbm>>
      tpu.enqueue_dma source(%arg7 : memref<64x768xf32, #tpu.memory_space<vmem>>) target(%dma_start3A_86 : memref<64x768xf32, #tpu.memory_space<hbm>>) target_semaphore(%run_scoped3A : memref<!tpu.dma_semaphore, #tpu.memory_space<semaphore_mem>>)
      %dma_wait3A_87 = arith.constant 0 : i32
      %dma_wait3A_88 = tpu.memref_slice %arg4[%add3A_82, %dma_wait3A_87] : memref<8192x768xf32, #tpu.memory_space<hbm>> -> memref<64x768xf32, #tpu.memory_space<hbm>>
      %dma_wait3A_89 = arith.constant 0 : i32
      %dma_wait3A_90 = tpu.memref_slice %arg4[%add3A_82, %dma_wait3A_89] : memref<8192x768xf32, #tpu.memory_space<hbm>> -> memref<64x768xf32, #tpu.memory_space<hbm>>
      tpu.wait_dma2 semaphore(%run_scoped3A : memref<!tpu.dma_semaphore, #tpu.memory_space<semaphore_mem>>) src(%arg7 : memref<64x768xf32, #tpu.memory_space<vmem>>) dst(%dma_wait3A_90 : memref<64x768xf32, #tpu.memory_space<hbm>>)
      tpu.yield
    }) : () -> ()
    return
  }
}

#map = affine_map<(d0, d1) -> (0, 0)>
module attributes {stable_mosaic.version = 14 : i64} {
  func.func @k(%arg0: i32, %arg1: i32, %arg2: memref<50358x768xf32, #tpu.memory_space<hbm>>, %arg3: memref<4x4096xi32, #tpu.memory_space<hbm>>, %arg4: memref<8192x768xf32, #tpu.memory_space<hbm>>, %arg5: memref<256xi32, #tpu.memory_space<vmem>>, %arg6: memref<64x768xf32, #tpu.memory_space<vmem>>, %arg7: memref<64x768xf32, #tpu.memory_space<vmem>>, %arg8: memref<!tpu.dma_semaphore, #tpu.memory_space<semaphore_mem>>, %arg9: memref<!tpu.dma_semaphore, #tpu.memory_space<semaphore_mem>>) attributes {dimension_semantics = [#tpu.dimension_semantics<core_parallel>, #tpu.dimension_semantics<subcore_parallel>], iteration_bounds = array<i64: 2, 16>, scalar_prefetch = 0 : i64, scratch_operands = 5 : i64, tpu.core_type = #tpu.core_type<sc_vector_subcore>, window_params = [{transform_indices = #map}, {transform_indices = #map}, {transform_indices = #map}]} {
    %mul3A = arith.constant 2 : i32
    %mul3A_0 = arith.muli %arg1, %mul3A : i32
    %add3A = arith.addi %mul3A_0, %arg0 : i32
    %mul3A_1 = arith.constant 256 : i32
    %mul3A_2 = arith.muli %add3A, %mul3A_1 : i32
    %jit3A = arith.constant 8 : i32
    %div3A = arith.divsi %add3A, %jit3A : i32
    %sign3A = arith.constant 0 : i32
    %sign3A_3 = arith.cmpi sgt, %add3A, %sign3A : i32
    %sign3A_4 = arith.extui %sign3A_3 : i1 to i32
    %sign3A_5 = arith.constant 0 : i32
    %sign3A_6 = arith.cmpi slt, %add3A, %sign3A_5 : i32
    %sign3A_7 = arith.extui %sign3A_6 : i1 to i32
    %sign3A_8 = arith.subi %sign3A_4, %sign3A_7 : i32
    %sign3A_9 = arith.constant 0 : i32
    %sign3A_10 = arith.cmpi sgt, %jit3A, %sign3A_9 : i32
    %sign3A_11 = arith.extui %sign3A_10 : i1 to i32
    %sign3A_12 = arith.constant 0 : i32
    %sign3A_13 = arith.cmpi slt, %jit3A, %sign3A_12 : i32
    %sign3A_14 = arith.extui %sign3A_13 : i1 to i32
    %sign3A_15 = arith.subi %sign3A_11, %sign3A_14 : i32
    %ne3A = arith.cmpi ne, %sign3A_8, %sign3A_15 : i32
    %rem3A = arith.remsi %add3A, %jit3A : i32
    %ne3A_16 = arith.constant 0 : i32
    %ne3A_17 = arith.cmpi ne, %rem3A, %ne3A_16 : i32
    %and3A = arith.andi %ne3A, %ne3A_17 : i1
    %sub3A = arith.constant 1 : i32
    %sub3A_18 = arith.subi %div3A, %sub3A : i32
    %select_n3A = arith.select %and3A, %sub3A_18, %div3A : i32
    %jit3A_19 = arith.constant 8 : i32
    %eq3A = arith.constant 0 : i32
    %eq3A_20 = arith.cmpi eq, %jit3A_19, %eq3A : i32
    %jit3A_21 = arith.constant 1 : i32
    %select_n3A_22 = arith.select %eq3A_20, %jit3A_21, %jit3A_19 : i32
    %rem3A_23 = arith.remsi %add3A, %select_n3A_22 : i32
    %ne3A_24 = arith.constant 0 : i32
    %ne3A_25 = arith.cmpi ne, %rem3A_23, %ne3A_24 : i32
    %lt3A = arith.constant 0 : i32
    %lt3A_26 = arith.cmpi slt, %rem3A_23, %lt3A : i32
    %lt3A_27 = arith.constant 0 : i32
    %lt3A_28 = arith.cmpi slt, %select_n3A_22, %lt3A_27 : i32
    %ne3A_29 = arith.xori %lt3A_26, %lt3A_28 : i1
    %and3A_30 = arith.andi %ne3A_29, %ne3A_25 : i1
    %add3A_31 = arith.addi %rem3A_23, %select_n3A_22 : i32
    %select_n3A_32 = arith.select %and3A_30, %add3A_31, %rem3A_23 : i32
    %mul3A_33 = arith.constant 256 : i32
    %mul3A_34 = arith.muli %select_n3A_32, %mul3A_33 : i32
    %add3A_35 = arith.constant 0 : i32
    %add3A_36 = arith.addi %add3A_35, %mul3A_34 : i32
    "tpu.region"() ({
      %run_scoped3A = tpu.sem_alloc : memref<!tpu.dma_semaphore, #tpu.memory_space<semaphore_mem>>
      %dma_start3A_83 = tpu.memref_slice %arg3[%select_n3A, %add3A_36] : memref<4x4096xi32, #tpu.memory_space<hbm>> -> memref<1x256xi32, #tpu.memory_space<hbm>>
      %dma_start3A_84 = tpu.memref_squeeze %dma_start3A_83 : memref<1x256xi32, #tpu.memory_space<hbm>> -> memref<256xi32, #tpu.memory_space<hbm>>
      %dma_start3A_85 = tpu.memref_slice %arg3[%select_n3A, %add3A_36] : memref<4x4096xi32, #tpu.memory_space<hbm>> -> memref<1x256xi32, #tpu.memory_space<hbm>>
      %dma_start3A_86 = tpu.memref_squeeze %dma_start3A_85 : memref<1x256xi32, #tpu.memory_space<hbm>> -> memref<256xi32, #tpu.memory_space<hbm>>
      tpu.enqueue_dma source(%dma_start3A_86 : memref<256xi32, #tpu.memory_space<hbm>>) target(%arg5 : memref<256xi32, #tpu.memory_space<vmem>>) target_semaphore(%run_scoped3A : memref<!tpu.dma_semaphore, #tpu.memory_space<semaphore_mem>>)
      %dma_wait3A_87 = tpu.memref_slice %arg3[%select_n3A, %add3A_36] : memref<4x4096xi32, #tpu.memory_space<hbm>> -> memref<1x256xi32, #tpu.memory_space<hbm>>
      %dma_wait3A_88 = tpu.memref_squeeze %dma_wait3A_87 : memref<1x256xi32, #tpu.memory_space<hbm>> -> memref<256xi32, #tpu.memory_space<hbm>>
      %dma_wait3A_89 = tpu.memref_slice %arg3[%select_n3A, %add3A_36] : memref<4x4096xi32, #tpu.memory_space<hbm>> -> memref<1x256xi32, #tpu.memory_space<hbm>>
      %dma_wait3A_90 = tpu.memref_squeeze %dma_wait3A_89 : memref<1x256xi32, #tpu.memory_space<hbm>> -> memref<256xi32, #tpu.memory_space<hbm>>
      tpu.wait_dma2 semaphore(%run_scoped3A : memref<!tpu.dma_semaphore, #tpu.memory_space<semaphore_mem>>) src(%dma_wait3A_90 : memref<256xi32, #tpu.memory_space<hbm>>) dst(%arg5 : memref<256xi32, #tpu.memory_space<vmem>>)
      tpu.yield
    }) : () -> ()
    %dma_start3A = arith.constant 0 : i32
    %dma_start3A_37 = tpu.memref_slice %arg5[%dma_start3A] : memref<256xi32, #tpu.memory_space<vmem>> -> memref<64xi32, #tpu.memory_space<vmem>>
    %dma_start3A_38 = arith.constant 0 : i32
    %dma_start3A_39 = arith.constant 0 : i32
    %dma_start3A_40 = tpu.memref_slice %arg2[%dma_start3A_38, %dma_start3A_39] : memref<50358x768xf32, #tpu.memory_space<hbm>> -> memref<50358x768xf32, #tpu.memory_space<hbm>>
    tpu.enqueue_indirect_dma source(%dma_start3A_40 : memref<50358x768xf32, #tpu.memory_space<hbm>>) target(%arg6 : memref<64x768xf32, #tpu.memory_space<vmem>>) offsets(%dma_start3A_37 : memref<64xi32, #tpu.memory_space<vmem>>) semaphore(%arg8 : memref<!tpu.dma_semaphore, #tpu.memory_space<semaphore_mem>>)
    %dma_start3A_41 = arith.constant 64 : i32
    %dma_start3A_42 = tpu.memref_slice %arg5[%dma_start3A_41] : memref<256xi32, #tpu.memory_space<vmem>> -> memref<64xi32, #tpu.memory_space<vmem>>
    %dma_start3A_43 = arith.constant 0 : i32
    %dma_start3A_44 = arith.constant 0 : i32
    %dma_start3A_45 = tpu.memref_slice %arg2[%dma_start3A_43, %dma_start3A_44] : memref<50358x768xf32, #tpu.memory_space<hbm>> -> memref<50358x768xf32, #tpu.memory_space<hbm>>
    tpu.enqueue_indirect_dma source(%dma_start3A_45 : memref<50358x768xf32, #tpu.memory_space<hbm>>) target(%arg7 : memref<64x768xf32, #tpu.memory_space<vmem>>) offsets(%dma_start3A_42 : memref<64xi32, #tpu.memory_space<vmem>>) semaphore(%arg9 : memref<!tpu.dma_semaphore, #tpu.memory_space<semaphore_mem>>)
    %dma_wait3A = arith.constant 0 : i32
    %dma_wait3A_46 = tpu.memref_slice %arg5[%dma_wait3A] : memref<256xi32, #tpu.memory_space<vmem>> -> memref<64xi32, #tpu.memory_space<vmem>>
    %dma_wait3A_47 = arith.constant 0 : i32
    %dma_wait3A_48 = arith.constant 0 : i32
    %dma_wait3A_49 = tpu.memref_slice %arg2[%dma_wait3A_47, %dma_wait3A_48] : memref<50358x768xf32, #tpu.memory_space<hbm>> -> memref<50358x768xf32, #tpu.memory_space<hbm>>
    tpu.wait_indirect_dma semaphore(%arg8 : memref<!tpu.dma_semaphore, #tpu.memory_space<semaphore_mem>>) src(%dma_wait3A_49 : memref<50358x768xf32, #tpu.memory_space<hbm>>) dst(%arg6 : memref<64x768xf32, #tpu.memory_space<vmem>>)
    %add3A_50 = arith.constant 0 : i32
    %add3A_51 = arith.addi %mul3A_2, %add3A_50 : i32
    "tpu.region"() ({
      %run_scoped3A = tpu.sem_alloc : memref<!tpu.dma_semaphore, #tpu.memory_space<semaphore_mem>>
      %dma_start3A_83 = arith.constant 0 : i32
      %dma_start3A_84 = tpu.memref_slice %arg4[%add3A_51, %dma_start3A_83] : memref<8192x768xf32, #tpu.memory_space<hbm>> -> memref<64x768xf32, #tpu.memory_space<hbm>>
      %dma_start3A_85 = arith.constant 0 : i32
      %dma_start3A_86 = tpu.memref_slice %arg4[%add3A_51, %dma_start3A_85] : memref<8192x768xf32, #tpu.memory_space<hbm>> -> memref<64x768xf32, #tpu.memory_space<hbm>>
      tpu.enqueue_dma source(%arg6 : memref<64x768xf32, #tpu.memory_space<vmem>>) target(%dma_start3A_86 : memref<64x768xf32, #tpu.memory_space<hbm>>) target_semaphore(%run_scoped3A : memref<!tpu.dma_semaphore, #tpu.memory_space<semaphore_mem>>)
      %dma_wait3A_87 = arith.constant 0 : i32
      %dma_wait3A_88 = tpu.memref_slice %arg4[%add3A_51, %dma_wait3A_87] : memref<8192x768xf32, #tpu.memory_space<hbm>> -> memref<64x768xf32, #tpu.memory_space<hbm>>
      %dma_wait3A_89 = arith.constant 0 : i32
      %dma_wait3A_90 = tpu.memref_slice %arg4[%add3A_51, %dma_wait3A_89] : memref<8192x768xf32, #tpu.memory_space<hbm>> -> memref<64x768xf32, #tpu.memory_space<hbm>>
      tpu.wait_dma2 semaphore(%run_scoped3A : memref<!tpu.dma_semaphore, #tpu.memory_space<semaphore_mem>>) src(%arg6 : memref<64x768xf32, #tpu.memory_space<vmem>>) dst(%dma_wait3A_90 : memref<64x768xf32, #tpu.memory_space<hbm>>)
      tpu.yield
    }) : () -> ()
    %dma_start3A_52 = arith.constant 128 : i32
    %dma_start3A_53 = tpu.memref_slice %arg5[%dma_start3A_52] : memref<256xi32, #tpu.memory_space<vmem>> -> memref<64xi32, #tpu.memory_space<vmem>>
    %dma_start3A_54 = arith.constant 0 : i32
    %dma_start3A_55 = arith.constant 0 : i32
    %dma_start3A_56 = tpu.memref_slice %arg2[%dma_start3A_54, %dma_start3A_55] : memref<50358x768xf32, #tpu.memory_space<hbm>> -> memref<50358x768xf32, #tpu.memory_space<hbm>>
    tpu.enqueue_indirect_dma source(%dma_start3A_56 : memref<50358x768xf32, #tpu.memory_space<hbm>>) target(%arg6 : memref<64x768xf32, #tpu.memory_space<vmem>>) offsets(%dma_start3A_53 : memref<64xi32, #tpu.memory_space<vmem>>) semaphore(%arg8 : memref<!tpu.dma_semaphore, #tpu.memory_space<semaphore_mem>>)
    %dma_wait3A_57 = arith.constant 64 : i32
    %dma_wait3A_58 = tpu.memref_slice %arg5[%dma_wait3A_57] : memref<256xi32, #tpu.memory_space<vmem>> -> memref<64xi32, #tpu.memory_space<vmem>>
    %dma_wait3A_59 = arith.constant 0 : i32
    %dma_wait3A_60 = arith.constant 0 : i32
    %dma_wait3A_61 = tpu.memref_slice %arg2[%dma_wait3A_59, %dma_wait3A_60] : memref<50358x768xf32, #tpu.memory_space<hbm>> -> memref<50358x768xf32, #tpu.memory_space<hbm>>
    tpu.wait_indirect_dma semaphore(%arg9 : memref<!tpu.dma_semaphore, #tpu.memory_space<semaphore_mem>>) src(%dma_wait3A_61 : memref<50358x768xf32, #tpu.memory_space<hbm>>) dst(%arg7 : memref<64x768xf32, #tpu.memory_space<vmem>>)
    %add3A_62 = arith.constant 64 : i32
    %add3A_63 = arith.addi %mul3A_2, %add3A_62 : i32
    "tpu.region"() ({
      %run_scoped3A = tpu.sem_alloc : memref<!tpu.dma_semaphore, #tpu.memory_space<semaphore_mem>>
      %dma_start3A_83 = arith.constant 0 : i32
      %dma_start3A_84 = tpu.memref_slice %arg4[%add3A_63, %dma_start3A_83] : memref<8192x768xf32, #tpu.memory_space<hbm>> -> memref<64x768xf32, #tpu.memory_space<hbm>>
      %dma_start3A_85 = arith.constant 0 : i32
      %dma_start3A_86 = tpu.memref_slice %arg4[%add3A_63, %dma_start3A_85] : memref<8192x768xf32, #tpu.memory_space<hbm>> -> memref<64x768xf32, #tpu.memory_space<hbm>>
      tpu.enqueue_dma source(%arg7 : memref<64x768xf32, #tpu.memory_space<vmem>>) target(%dma_start3A_86 : memref<64x768xf32, #tpu.memory_space<hbm>>) target_semaphore(%run_scoped3A : memref<!tpu.dma_semaphore, #tpu.memory_space<semaphore_mem>>)
      %dma_wait3A_87 = arith.constant 0 : i32
      %dma_wait3A_88 = tpu.memref_slice %arg4[%add3A_63, %dma_wait3A_87] : memref<8192x768xf32, #tpu.memory_space<hbm>> -> memref<64x768xf32, #tpu.memory_space<hbm>>
      %dma_wait3A_89 = arith.constant 0 : i32
      %dma_wait3A_90 = tpu.memref_slice %arg4[%add3A_63, %dma_wait3A_89] : memref<8192x768xf32, #tpu.memory_space<hbm>> -> memref<64x768xf32, #tpu.memory_space<hbm>>
      tpu.wait_dma2 semaphore(%run_scoped3A : memref<!tpu.dma_semaphore, #tpu.memory_space<semaphore_mem>>) src(%arg7 : memref<64x768xf32, #tpu.memory_space<vmem>>) dst(%dma_wait3A_90 : memref<64x768xf32, #tpu.memory_space<hbm>>)
      tpu.yield
    }) : () -> ()
    %dma_start3A_64 = arith.constant 192 : i32
    %dma_start3A_65 = tpu.memref_slice %arg5[%dma_start3A_64] : memref<256xi32, #tpu.memory_space<vmem>> -> memref<64xi32, #tpu.memory_space<vmem>>
    %dma_start3A_66 = arith.constant 0 : i32
    %dma_start3A_67 = arith.constant 0 : i32
    %dma_start3A_68 = tpu.memref_slice %arg2[%dma_start3A_66, %dma_start3A_67] : memref<50358x768xf32, #tpu.memory_space<hbm>> -> memref<50358x768xf32, #tpu.memory_space<hbm>>
    tpu.enqueue_indirect_dma source(%dma_start3A_68 : memref<50358x768xf32, #tpu.memory_space<hbm>>) target(%arg7 : memref<64x768xf32, #tpu.memory_space<vmem>>) offsets(%dma_start3A_65 : memref<64xi32, #tpu.memory_space<vmem>>) semaphore(%arg9 : memref<!tpu.dma_semaphore, #tpu.memory_space<semaphore_mem>>)
    %dma_wait3A_69 = arith.constant 128 : i32
    %dma_wait3A_70 = tpu.memref_slice %arg5[%dma_wait3A_69] : memref<256xi32, #tpu.memory_space<vmem>> -> memref<64xi32, #tpu.memory_space<vmem>>
    %dma_wait3A_71 = arith.constant 0 : i32
    %dma_wait3A_72 = arith.constant 0 : i32
    %dma_wait3A_73 = tpu.memref_slice %arg2[%dma_wait3A_71, %dma_wait3A_72] : memref<50358x768xf32, #tpu.memory_space<hbm>> -> memref<50358x768xf32, #tpu.memory_space<hbm>>
    tpu.wait_indirect_dma semaphore(%arg8 : memref<!tpu.dma_semaphore, #tpu.memory_space<semaphore_mem>>) src(%dma_wait3A_73 : memref<50358x768xf32, #tpu.memory_space<hbm>>) dst(%arg6 : memref<64x768xf32, #tpu.memory_space<vmem>>)
    %add3A_74 = arith.constant 128 : i32
    %add3A_75 = arith.addi %mul3A_2, %add3A_74 : i32
    "tpu.region"() ({
      %run_scoped3A = tpu.sem_alloc : memref<!tpu.dma_semaphore, #tpu.memory_space<semaphore_mem>>
      %dma_start3A_83 = arith.constant 0 : i32
      %dma_start3A_84 = tpu.memref_slice %arg4[%add3A_75, %dma_start3A_83] : memref<8192x768xf32, #tpu.memory_space<hbm>> -> memref<64x768xf32, #tpu.memory_space<hbm>>
      %dma_start3A_85 = arith.constant 0 : i32
      %dma_start3A_86 = tpu.memref_slice %arg4[%add3A_75, %dma_start3A_85] : memref<8192x768xf32, #tpu.memory_space<hbm>> -> memref<64x768xf32, #tpu.memory_space<hbm>>
      tpu.enqueue_dma source(%arg6 : memref<64x768xf32, #tpu.memory_space<vmem>>) target(%dma_start3A_86 : memref<64x768xf32, #tpu.memory_space<hbm>>) target_semaphore(%run_scoped3A : memref<!tpu.dma_semaphore, #tpu.memory_space<semaphore_mem>>)
      %dma_wait3A_87 = arith.constant 0 : i32
      %dma_wait3A_88 = tpu.memref_slice %arg4[%add3A_75, %dma_wait3A_87] : memref<8192x768xf32, #tpu.memory_space<hbm>> -> memref<64x768xf32, #tpu.memory_space<hbm>>
      %dma_wait3A_89 = arith.constant 0 : i32
      %dma_wait3A_90 = tpu.memref_slice %arg4[%add3A_75, %dma_wait3A_89] : memref<8192x768xf32, #tpu.memory_space<hbm>> -> memref<64x768xf32, #tpu.memory_space<hbm>>
      tpu.wait_dma2 semaphore(%run_scoped3A : memref<!tpu.dma_semaphore, #tpu.memory_space<semaphore_mem>>) src(%arg6 : memref<64x768xf32, #tpu.memory_space<vmem>>) dst(%dma_wait3A_90 : memref<64x768xf32, #tpu.memory_space<hbm>>)
      tpu.yield
    }) : () -> ()
    %dma_wait3A_76 = arith.constant 192 : i32
    %dma_wait3A_77 = tpu.memref_slice %arg5[%dma_wait3A_76] : memref<256xi32, #tpu.memory_space<vmem>> -> memref<64xi32, #tpu.memory_space<vmem>>
    %dma_wait3A_78 = arith.constant 0 : i32
    %dma_wait3A_79 = arith.constant 0 : i32
    %dma_wait3A_80 = tpu.memref_slice %arg2[%dma_wait3A_78, %dma_wait3A_79] : memref<50358x768xf32, #tpu.memory_space<hbm>> -> memref<50358x768xf32, #tpu.memory_space<hbm>>
    tpu.wait_indirect_dma semaphore(%arg9 : memref<!tpu.dma_semaphore, #tpu.memory_space<semaphore_mem>>) src(%dma_wait3A_80 : memref<50358x768xf32, #tpu.memory_space<hbm>>) dst(%arg7 : memref<64x768xf32, #tpu.memory_space<vmem>>)
    %add3A_81 = arith.constant 192 : i32
    %add3A_82 = arith.addi %mul3A_2, %add3A_81 : i32
    "tpu.region"() ({
      %run_scoped3A = tpu.sem_alloc : memref<!tpu.dma_semaphore, #tpu.memory_space<semaphore_mem>>
      %dma_start3A_83 = arith.constant 0 : i32
      %dma_start3A_84 = tpu.memref_slice %arg4[%add3A_82, %dma_start3A_83] : memref<8192x768xf32, #tpu.memory_space<hbm>> -> memref<64x768xf32, #tpu.memory_space<hbm>>
      %dma_start3A_85 = arith.constant 0 : i32
      %dma_start3A_86 = tpu.memref_slice %arg4[%add3A_82, %dma_start3A_85] : memref<8192x768xf32, #tpu.memory_space<hbm>> -> memref<64x768xf32, #tpu.memory_space<hbm>>
      tpu.enqueue_dma source(%arg7 : memref<64x768xf32, #tpu.memory_space<vmem>>) target(%dma_start3A_86 : memref<64x768xf32, #tpu.memory_space<hbm>>) target_semaphore(%run_scoped3A : memref<!tpu.dma_semaphore, #tpu.memory_space<semaphore_mem>>)
      %dma_wait3A_87 = arith.constant 0 : i32
      %dma_wait3A_88 = tpu.memref_slice %arg4[%add3A_82, %dma_wait3A_87] : memref<8192x768xf32, #tpu.memory_space<hbm>> -> memref<64x768xf32, #tpu.memory_space<hbm>>
      %dma_wait3A_89 = arith.constant 0 : i32
      %dma_wait3A_90 = tpu.memref_slice %arg4[%add3A_82, %dma_wait3A_89] : memref<8192x768xf32, #tpu.memory_space<hbm>> -> memref<64x768xf32, #tpu.memory_space<hbm>>
      tpu.wait_dma2 semaphore(%run_scoped3A : memref<!tpu.dma_semaphore, #tpu.memory_space<semaphore_mem>>) src(%arg7 : memref<64x768xf32, #tpu.memory_space<vmem>>) dst(%dma_wait3A_90 : memref<64x768xf32, #tpu.memory_space<hbm>>)
      tpu.yield
    }) : () -> ()
    return
  }
}

module attributes {stable_mosaic.version = 14 : i64} {
  func.func @_tc_body(%arg0: i32, %arg1: i32, %arg2: memref<1024x768xf32, #tpu.memory_space<vmem>>, %arg3: memref<1024x768xf32, #tpu.memory_space<vmem>>, %arg4: memref<1024x1xi8, #tpu.memory_space<vmem>>, %arg5: memref<2x768xf32, #tpu.memory_space<vmem>>, %arg6: memref<1x768xf32, #tpu.memory_space<vmem>>, %arg7: memref<1x768xf32, #tpu.memory_space<vmem>>, %arg8: memref<1024x768xf32, #tpu.memory_space<vmem>>) attributes {dimension_semantics = [#tpu.dimension_semantics<arbitrary>, #tpu.dimension_semantics<arbitrary>], iteration_bounds = array<i64: 2, 4>, scalar_prefetch = 0 : i64, scratch_operands = 0 : i64, tpu.core_type = #tpu.core_type<tc>, window_params = [{transform_indices = @transform_0, window_bounds = array<i64: 1024, 768>}, {transform_indices = @transform_1, window_bounds = array<i64: 1024, 768>}, {transform_indices = @transform_2, window_bounds = array<i64: 1024, 1>}, {pipeline_mode = #tpu.pipeline_mode<synchronous>, transform_indices = @transform_3, window_bounds = array<i64: 2, 768>}, {pipeline_mode = #tpu.pipeline_mode<synchronous>, transform_indices = @transform_4, window_bounds = array<i64: 1, 768>}, {pipeline_mode = #tpu.pipeline_mode<synchronous>, transform_indices = @transform_5, window_bounds = array<i64: 1, 768>}, {transform_indices = @transform_6, window_bounds = array<i64: 1024, 768>}]} {
    %get3A = arith.constant 0 : index
    %get3A_0 = arith.constant 0 : index
    %get3A_1 = vector.load %arg2[%get3A, %get3A_0] : memref<1024x768xf32, #tpu.memory_space<vmem>>, vector<1024x768xf32>
    %get3A_2 = arith.constant 0 : index
    %get3A_3 = arith.constant 0 : index
    %get3A_4 = vector.load %arg3[%get3A_2, %get3A_3] : memref<1024x768xf32, #tpu.memory_space<vmem>>, vector<1024x768xf32>
    %add3A = arith.addf %get3A_1, %get3A_4 : vector<1024x768xf32>
    %get3A_5 = arith.constant 0 : index
    %get3A_6 = arith.constant 0 : index
    %get3A_7 = vector.load %arg5[%get3A_5, %get3A_6] : memref<2x768xf32, #tpu.memory_space<vmem>>, vector<1x768xf32>
    %get3A_8 = arith.constant 1 : index
    %get3A_9 = arith.constant 0 : index
    %get3A_10 = vector.load %arg5[%get3A_8, %get3A_9] : memref<2x768xf32, #tpu.memory_space<vmem>>, vector<1x768xf32>
    %add3A_11 = vector.broadcast %get3A_7 : vector<1x768xf32> to vector<1024x768xf32>
    %add3A_12 = arith.addf %add3A, %add3A_11 : vector<1024x768xf32>
    %get3A_13 = arith.constant 0 : index
    %get3A_14 = arith.constant 0 : index
    %get3A_15 = vector.load %arg4[%get3A_13, %get3A_14] : memref<1024x1xi8, #tpu.memory_space<vmem>>, vector<1024x1xi8>
    %convert_element_type3A = arith.sitofp %get3A_15 : vector<1024x1xi8> to vector<1024x1xf32>
    %sub3A = arith.subf %get3A_10, %get3A_7 : vector<1x768xf32>
    %mul3A = vector.broadcast %convert_element_type3A : vector<1024x1xf32> to vector<1024x768xf32>
    %mul3A_16 = vector.broadcast %sub3A : vector<1x768xf32> to vector<1024x768xf32>
    %mul3A_17 = arith.mulf %mul3A, %mul3A_16 : vector<1024x768xf32>
    %add3A_18 = arith.addf %add3A_12, %mul3A_17 : vector<1024x768xf32>
    %reduce_sum3A = arith.constant dense<0.000000e+00> : vector<1024xf32>
    %reduce_sum3A_19 = vector.multi_reduction <add>, %add3A_18, %reduce_sum3A [1] : vector<1024x768xf32> to vector<1024xf32>
    %broadcast_in_dim3A = vector.shape_cast %reduce_sum3A_19 : vector<1024xf32> to vector<1024x1xf32>
    %div3A = arith.constant 7.680000e+02 : f32
    %div3A_20 = vector.broadcast %div3A : f32 to vector<1024x1xf32>
    %div3A_21 = arith.divf %broadcast_in_dim3A, %div3A_20 : vector<1024x1xf32>
    %sub3A_22 = vector.broadcast %div3A_21 : vector<1024x1xf32> to vector<1024x768xf32>
    %sub3A_23 = arith.subf %add3A_18, %sub3A_22 : vector<1024x768xf32>
    %mul3A_24 = arith.mulf %sub3A_23, %sub3A_23 : vector<1024x768xf32>
    %reduce_sum3A_25 = arith.constant dense<0.000000e+00> : vector<1024xf32>
    %reduce_sum3A_26 = vector.multi_reduction <add>, %mul3A_24, %reduce_sum3A_25 [1] : vector<1024x768xf32> to vector<1024xf32>
    %broadcast_in_dim3A_27 = vector.shape_cast %reduce_sum3A_26 : vector<1024xf32> to vector<1024x1xf32>
    %div3A_28 = arith.constant 7.680000e+02 : f32
    %div3A_29 = vector.broadcast %div3A_28 : f32 to vector<1024x1xf32>
    %div3A_30 = arith.divf %broadcast_in_dim3A_27, %div3A_29 : vector<1024x1xf32>
    %add3A_31 = arith.constant 9.99999996E-13 : f32
    %add3A_32 = vector.broadcast %add3A_31 : f32 to vector<1024x1xf32>
    %add3A_33 = arith.addf %div3A_30, %add3A_32 : vector<1024x1xf32>
    %rsqrt3A = math.rsqrt %add3A_33 : vector<1024x1xf32>
    %mul3A_34 = vector.broadcast %rsqrt3A : vector<1024x1xf32> to vector<1024x768xf32>
    %mul3A_35 = arith.mulf %sub3A_23, %mul3A_34 : vector<1024x768xf32>
    %get3A_36 = arith.constant 0 : index
    %get3A_37 = arith.constant 0 : index
    %get3A_38 = vector.load %arg6[%get3A_36, %get3A_37] : memref<1x768xf32, #tpu.memory_space<vmem>>, vector<1x768xf32>
    %mul3A_39 = vector.broadcast %get3A_38 : vector<1x768xf32> to vector<1024x768xf32>
    %mul3A_40 = arith.mulf %mul3A_35, %mul3A_39 : vector<1024x768xf32>
    %get3A_41 = arith.constant 0 : index
    %get3A_42 = arith.constant 0 : index
    %get3A_43 = vector.load %arg7[%get3A_41, %get3A_42] : memref<1x768xf32, #tpu.memory_space<vmem>>, vector<1x768xf32>
    %add3A_44 = vector.broadcast %get3A_43 : vector<1x768xf32> to vector<1024x768xf32>
    %add3A_45 = arith.addf %mul3A_40, %add3A_44 : vector<1024x768xf32>
    %swap3A = arith.constant 0 : index
    %swap3A_46 = arith.constant 0 : index
    %swap3A_47 = vector.load %arg8[%swap3A, %swap3A_46] : memref<1024x768xf32, #tpu.memory_space<vmem>>, vector<1024x768xf32>
    tpu.vector_store %arg8[%swap3A, %swap3A_46], %add3A_45 {strides = array<i32>} : memref<1024x768xf32, #tpu.memory_space<vmem>>, vector<1024x768xf32>,
    return
  }
  func.func @transform_0(%arg0: i32, %arg1: i32) -> (i32, i32) {
    %mul3A = arith.constant 2 : i32
    %mul3A_0 = arith.muli %arg1, %mul3A : i32
    %add3A = arith.addi %mul3A_0, %arg0 : i32
    %c0_i32 = arith.constant 0 : i32
    %c0_i32_1 = arith.constant 0 : i32
    return %add3A, %c0_i32 : i32, i32
  }
  func.func @transform_1(%arg0: i32, %arg1: i32) -> (i32, i32) {
    %add3A = arith.constant 0 : i32
    %add3A_0 = arith.addi %add3A, %arg0 : i32
    %c0_i32 = arith.constant 0 : i32
    %c0_i32_1 = arith.constant 0 : i32
    return %add3A_0, %c0_i32 : i32, i32
  }
  func.func @transform_2(%arg0: i32, %arg1: i32) -> (i32, i32) {
    %mul3A = arith.constant 4 : i32
    %mul3A_0 = arith.muli %arg1, %mul3A : i32
    %add3A = arith.constant 0 : i32
    %add3A_1 = arith.addi %mul3A_0, %add3A : i32
    %add3A_2 = arith.addi %add3A_1, %arg0 : i32
    %c0_i32 = arith.constant 0 : i32
    %c0_i32_3 = arith.constant 0 : i32
    return %add3A_2, %c0_i32 : i32, i32
  }
  func.func @transform_3(%arg0: i32, %arg1: i32) -> (i32, i32) {
    %c0_i32 = arith.constant 0 : i32
    %c0_i32_0 = arith.constant 0 : i32
    %c0_i32_1 = arith.constant 0 : i32
    return %c0_i32, %c0_i32_0 : i32, i32
  }
  func.func @transform_4(%arg0: i32, %arg1: i32) -> (i32, i32) {
    %c0_i32 = arith.constant 0 : i32
    %c0_i32_0 = arith.constant 0 : i32
    %c0_i32_1 = arith.constant 0 : i32
    return %c0_i32, %c0_i32_0 : i32, i32
  }
  func.func @transform_5(%arg0: i32, %arg1: i32) -> (i32, i32) {
    %c0_i32 = arith.constant 0 : i32
    %c0_i32_0 = arith.constant 0 : i32
    %c0_i32_1 = arith.constant 0 : i32
    return %c0_i32, %c0_i32_0 : i32, i32
  }
  func.func @transform_6(%arg0: i32, %arg1: i32) -> (i32, i32) {
    %mul3A = arith.constant 4 : i32
    %mul3A_0 = arith.muli %arg1, %mul3A : i32
    %add3A = arith.constant 0 : i32
    %add3A_1 = arith.addi %mul3A_0, %add3A : i32
    %add3A_2 = arith.addi %add3A_1, %arg0 : i32
    %c0_i32 = arith.constant 0 : i32
    %c0_i32_3 = arith.constant 0 : i32
    return %add3A_2, %c0_i32 : i32, i32
  }
}

module attributes {stable_mosaic.version = 14 : i64} {
  func.func @_tc_body_alias(%arg0: i32, %arg1: i32, %arg2: memref<1024x768xf32, #tpu.memory_space<vmem>>, %arg3: memref<1024x768xf32, #tpu.memory_space<vmem>>, %arg4: memref<1024x1xi8, #tpu.memory_space<vmem>>, %arg5: memref<2x768xf32, #tpu.memory_space<vmem>>, %arg6: memref<1x768xf32, #tpu.memory_space<vmem>>, %arg7: memref<1x768xf32, #tpu.memory_space<vmem>>, %arg8: memref<16384x768xf32, #tpu.memory_space<hbm>>, %arg9: memref<1024x768xf32, #tpu.memory_space<vmem>>) attributes {dimension_semantics = [#tpu.dimension_semantics<arbitrary>, #tpu.dimension_semantics<arbitrary>], iteration_bounds = array<i64: 2, 4>, scalar_prefetch = 0 : i64, scratch_operands = 0 : i64, tpu.core_type = #tpu.core_type<tc>, window_params = [{transform_indices = @transform_0, window_bounds = array<i64: 1024, 768>}, {transform_indices = @transform_1, window_bounds = array<i64: 1024, 768>}, {transform_indices = @transform_2, window_bounds = array<i64: 1024, 1>}, {pipeline_mode = #tpu.pipeline_mode<synchronous>, transform_indices = @transform_3, window_bounds = array<i64: 2, 768>}, {pipeline_mode = #tpu.pipeline_mode<synchronous>, transform_indices = @transform_4, window_bounds = array<i64: 1, 768>}, {pipeline_mode = #tpu.pipeline_mode<synchronous>, transform_indices = @transform_5, window_bounds = array<i64: 1, 768>}, {}, {transform_indices = @transform_7, window_bounds = array<i64: 1024, 768>}]} {
    %get3A = arith.constant 0 : index
    %get3A_0 = arith.constant 0 : index
    %get3A_1 = vector.load %arg2[%get3A, %get3A_0] : memref<1024x768xf32, #tpu.memory_space<vmem>>, vector<1024x768xf32>
    %get3A_2 = arith.constant 0 : index
    %get3A_3 = arith.constant 0 : index
    %get3A_4 = vector.load %arg3[%get3A_2, %get3A_3] : memref<1024x768xf32, #tpu.memory_space<vmem>>, vector<1024x768xf32>
    %add3A = arith.addf %get3A_1, %get3A_4 : vector<1024x768xf32>
    %get3A_5 = arith.constant 0 : index
    %get3A_6 = arith.constant 0 : index
    %get3A_7 = vector.load %arg5[%get3A_5, %get3A_6] : memref<2x768xf32, #tpu.memory_space<vmem>>, vector<1x768xf32>
    %get3A_8 = arith.constant 1 : index
    %get3A_9 = arith.constant 0 : index
    %get3A_10 = vector.load %arg5[%get3A_8, %get3A_9] : memref<2x768xf32, #tpu.memory_space<vmem>>, vector<1x768xf32>
    %add3A_11 = vector.broadcast %get3A_7 : vector<1x768xf32> to vector<1024x768xf32>
    %add3A_12 = arith.addf %add3A, %add3A_11 : vector<1024x768xf32>
    %get3A_13 = arith.constant 0 : index
    %get3A_14 = arith.constant 0 : index
    %get3A_15 = vector.load %arg4[%get3A_13, %get3A_14] : memref<1024x1xi8, #tpu.memory_space<vmem>>, vector<1024x1xi8>
    %convert_element_type3A = arith.sitofp %get3A_15 : vector<1024x1xi8> to vector<1024x1xf32>
    %sub3A = arith.subf %get3A_10, %get3A_7 : vector<1x768xf32>
    %mul3A = vector.broadcast %convert_element_type3A : vector<1024x1xf32> to vector<1024x768xf32>
    %mul3A_16 = vector.broadcast %sub3A : vector<1x768xf32> to vector<1024x768xf32>
    %mul3A_17 = arith.mulf %mul3A, %mul3A_16 : vector<1024x768xf32>
    %add3A_18 = arith.addf %add3A_12, %mul3A_17 : vector<1024x768xf32>
    %reduce_sum3A = arith.constant dense<0.000000e+00> : vector<1024xf32>
    %reduce_sum3A_19 = vector.multi_reduction <add>, %add3A_18, %reduce_sum3A [1] : vector<1024x768xf32> to vector<1024xf32>
    %broadcast_in_dim3A = vector.shape_cast %reduce_sum3A_19 : vector<1024xf32> to vector<1024x1xf32>
    %div3A = arith.constant 7.680000e+02 : f32
    %div3A_20 = vector.broadcast %div3A : f32 to vector<1024x1xf32>
    %div3A_21 = arith.divf %broadcast_in_dim3A, %div3A_20 : vector<1024x1xf32>
    %sub3A_22 = vector.broadcast %div3A_21 : vector<1024x1xf32> to vector<1024x768xf32>
    %sub3A_23 = arith.subf %add3A_18, %sub3A_22 : vector<1024x768xf32>
    %mul3A_24 = arith.mulf %sub3A_23, %sub3A_23 : vector<1024x768xf32>
    %reduce_sum3A_25 = arith.constant dense<0.000000e+00> : vector<1024xf32>
    %reduce_sum3A_26 = vector.multi_reduction <add>, %mul3A_24, %reduce_sum3A_25 [1] : vector<1024x768xf32> to vector<1024xf32>
    %broadcast_in_dim3A_27 = vector.shape_cast %reduce_sum3A_26 : vector<1024xf32> to vector<1024x1xf32>
    %div3A_28 = arith.constant 7.680000e+02 : f32
    %div3A_29 = vector.broadcast %div3A_28 : f32 to vector<1024x1xf32>
    %div3A_30 = arith.divf %broadcast_in_dim3A_27, %div3A_29 : vector<1024x1xf32>
    %add3A_31 = arith.constant 9.99999996E-13 : f32
    %add3A_32 = vector.broadcast %add3A_31 : f32 to vector<1024x1xf32>
    %add3A_33 = arith.addf %div3A_30, %add3A_32 : vector<1024x1xf32>
    %rsqrt3A = math.rsqrt %add3A_33 : vector<1024x1xf32>
    %mul3A_34 = vector.broadcast %rsqrt3A : vector<1024x1xf32> to vector<1024x768xf32>
    %mul3A_35 = arith.mulf %sub3A_23, %mul3A_34 : vector<1024x768xf32>
    %get3A_36 = arith.constant 0 : index
    %get3A_37 = arith.constant 0 : index
    %get3A_38 = vector.load %arg6[%get3A_36, %get3A_37] : memref<1x768xf32, #tpu.memory_space<vmem>>, vector<1x768xf32>
    %mul3A_39 = vector.broadcast %get3A_38 : vector<1x768xf32> to vector<1024x768xf32>
    %mul3A_40 = arith.mulf %mul3A_35, %mul3A_39 : vector<1024x768xf32>
    %get3A_41 = arith.constant 0 : index
    %get3A_42 = arith.constant 0 : index
    %get3A_43 = vector.load %arg7[%get3A_41, %get3A_42] : memref<1x768xf32, #tpu.memory_space<vmem>>, vector<1x768xf32>
    %add3A_44 = vector.broadcast %get3A_43 : vector<1x768xf32> to vector<1024x768xf32>
    %add3A_45 = arith.addf %mul3A_40, %add3A_44 : vector<1024x768xf32>
    %swap3A = arith.constant 0 : index
    %swap3A_46 = arith.constant 0 : index
    %swap3A_47 = vector.load %arg9[%swap3A, %swap3A_46] : memref<1024x768xf32, #tpu.memory_space<vmem>>, vector<1024x768xf32>
    tpu.vector_store %arg9[%swap3A, %swap3A_46], %add3A_45 {strides = array<i32>} : memref<1024x768xf32, #tpu.memory_space<vmem>>, vector<1024x768xf32>,
    return
  }
  func.func @transform_0(%arg0: i32, %arg1: i32) -> (i32, i32) {
    %mul3A = arith.constant 2 : i32
    %mul3A_0 = arith.muli %arg1, %mul3A : i32
    %add3A = arith.addi %mul3A_0, %arg0 : i32
    %c0_i32 = arith.constant 0 : i32
    %c0_i32_1 = arith.constant 0 : i32
    return %add3A, %c0_i32 : i32, i32
  }
  func.func @transform_1(%arg0: i32, %arg1: i32) -> (i32, i32) {
    %add3A = arith.constant 2 : i32
    %add3A_0 = arith.addi %add3A, %arg0 : i32
    %c0_i32 = arith.constant 0 : i32
    %c0_i32_1 = arith.constant 0 : i32
    return %add3A_0, %c0_i32 : i32, i32
  }
  func.func @transform_2(%arg0: i32, %arg1: i32) -> (i32, i32) {
    %mul3A = arith.constant 4 : i32
    %mul3A_0 = arith.muli %arg1, %mul3A : i32
    %add3A = arith.constant 2 : i32
    %add3A_1 = arith.addi %mul3A_0, %add3A : i32
    %add3A_2 = arith.addi %add3A_1, %arg0 : i32
    %c0_i32 = arith.constant 0 : i32
    %c0_i32_3 = arith.constant 0 : i32
    return %add3A_2, %c0_i32 : i32, i32
  }
  func.func @transform_3(%arg0: i32, %arg1: i32) -> (i32, i32) {
    %c0_i32 = arith.constant 0 : i32
    %c0_i32_0 = arith.constant 0 : i32
    %c0_i32_1 = arith.constant 0 : i32
    return %c0_i32, %c0_i32_0 : i32, i32
  }
  func.func @transform_4(%arg0: i32, %arg1: i32) -> (i32, i32) {
    %c0_i32 = arith.constant 0 : i32
    %c0_i32_0 = arith.constant 0 : i32
    %c0_i32_1 = arith.constant 0 : i32
    return %c0_i32, %c0_i32_0 : i32, i32
  }
  func.func @transform_5(%arg0: i32, %arg1: i32) -> (i32, i32) {
    %c0_i32 = arith.constant 0 : i32
    %c0_i32_0 = arith.constant 0 : i32
    %c0_i32_1 = arith.constant 0 : i32
    return %c0_i32, %c0_i32_0 : i32, i32
  }
  func.func @transform_7(%arg0: i32, %arg1: i32) -> (i32, i32) {
    %mul3A = arith.constant 4 : i32
    %mul3A_0 = arith.muli %arg1, %mul3A : i32
    %add3A = arith.constant 2 : i32
    %add3A_1 = arith.addi %mul3A_0, %add3A : i32
    %add3A_2 = arith.addi %add3A_1, %arg0 : i32
    %c0_i32 = arith.constant 0 : i32
    %c0_i32_3 = arith.constant 0 : i32
    return %add3A_2, %c0_i32 : i32, i32
  }
}

</mosaic_0001>

<sc_bundles>
// kernel: kernel.6.cloned.1.call-start
scs
__scs_entry_jumppad:
0x0: {  	(pc) =	sbr.rel $0x88, $3  }
0x1: {  	(tag) =	ssettag $0x0;
	lr =	simm.s32 $0x1  }
0x2: {  	[smem:$0x3F9A] =	sst lr;
	_ =	strace $0xD0000000  }
0x3: {  	_ = 	snop  }
0x4: {  	_ = 	snop  }
0x5: {  	_ = 	snop  }
0x6: {  	_ = 	snop  }
0x7: {  	_ = 	snop  }
__scs_overlays_trampoline_lowered:
0x8: {  	[smem:$0x3FA9] =	sst s0  }
0x9: {  	[smem:$0x3FAA] =	sst s1  }
0xa: {  	[smem:$0x3FAB] =	sst s2  }
0xb: {  	[smem:$0x3FAC] =	sst s3  }
0xc: {  	[smem:$0x3FAD] =	sst s4  }
0xd: {  	[smem:$0x3FAE] =	sst s5  }
0xe: {  	[smem:$0x3FAF] =	sst s6  }
0xf: {  	[smem:$0x3FB0] =	sst s7  }
0x10: {  	[smem:$0x3FB1] =	sst s8  }
0x11: {  	[smem:$0x3FB2] =	sst s9;
	s0 =	simm.s32 @!p0 $0x0  }
0x12: {  	s1 =	sld [smem:$0x3F98];
	s0 =	simm.s32 @p0 $0x1  }
0x13: {  	[smem:$0x3FB3] =	sst s0;
	s0 =	simm.s32 @!p1 $0x0  }
0x14: {  	s2 =	sld [smem:$0x3F97];
	s0 =	simm.s32 @p1 $0x1  }
0x15: {  	[smem:$0x3FB4] =	sst s0;
	s0 =	simm.s32 @!p2 $0x0  }
0x16: {  	s3 =	sld [smem:$0x3FDB];
	s0 =	simm.s32 @p2 $0x1  }
0x17: {  	s4 =	simm.s32 $0x1BF5;
	[smem:$0x3FB6] =	sst s0  }
0x18: {  	s0 =	sld [smem:$0x3F99];
	_ =	swait.ge [sflag:s4], $0x0  }
0x19: {  	s7 =	sld [smem:$0x3F9A]  }
0x1a: {  	s8 =	sadd.s32 $0xFFFFE003, lr  }
0x1b: {  	s9 =	sadd.s32 $0xFFFFFEF7, lr;
	s5 =	simm.s32 $0xFFFFFFFF;
	p2 =	slt.u32 s8, $0xFFFFF086  }
0x1c: {  	p1 =	slt.u32 s9, $0xF7A;
	s5 =	simm.s32 @!p2 $0x0  }
0x1d: {  	s5 =	simm.s32 @p1 $0x1;
	p0 =	seq.s32 s7, s2  }
0x1e: {  	s7 =	smul.u32 @!p0 $0xF7A, s2;
	p2 =	seq.s32 @!p0 s5, $0x0  }
0x1f: {  	s9 =	smul.u32 $0xF7A, s1;
	s8 =	simm.s32 @!p0 $0x1BF5;
	p2 =	por !p2, p0  }
0x20: {  	[sflag:s8] =	ssyncset.s32 @!p0 $0xFFFFF086;
	s6 =	sadd.s32 @!p0 s3, s7;
	s7 =	simm.s32 @!p0 $0x108  }
0x21: {  	s3 =	sadd.s32 s3, s9;
	s6 =	sadd.s32 @!p0 $0x88, s6;
	s7 =	simm.s32 @p2 $0x1082  }
0x22: {  	[simem:s7], [sflag:s8] =	dma.local @!p0 [hbm:s6], $0xF7A  }
0x23: {  	s9 =	sor.u32 $0xD0000000, s2;
	s6 =	simm.s32 $0x108;
	_ =	swait.ge @!p0 [sflag:s8], $0x0  }
0x24: {  	s3 =	sadd.s32 $0x88, s3;
	s6 =	simm.s32 @!p1 $0x1082;
	[sflag:s4] =	ssyncset.s32 $0xFFFFF086  }
0x25: {  	[simem:s6], [sflag:s4] =	dma.local [hbm:s3], $0xF7A  }
0x26: {  	[smem:$0x3F9A] =	sst s1;
	(tag) =	ssettag s2;
	_ =	strace s9  }
0x27: {  	s1 =	sld [smem:$0x3FAA]  }
0x28: {  	s2 =	sld [smem:$0x3FAB]  }
0x29: {  	s4 =	sld [smem:$0x3FAD]  }
0x2a: {  	p0 =	seq.s32 s5, $0x0;
	s5 =	sld [smem:$0x3FAE]  }
0x2b: {  	s6 =	sld [smem:$0x3FAF]  }
0x2c: {  	s7 =	sld [smem:$0x3FB0]  }
0x2d: {  	s3 =	simm.s32 $0x108;
	s8 =	sld [smem:$0x3FB1]  }
0x2e: {  	s3 =	simm.s32 @!p0 $0x1082;
	s9 =	sld [smem:$0x3FB2]  }
0x2f: {  	lr =	sadd.s32 s0, s3;
	s0 =	sld [smem:$0x3FA9]  }
0x30: {  	s3 =	sld [smem:$0x3FAC]  }
0x31: {  	[smem:$0x3FB5] =	sst s10  }
0x32: {  	s10 =	sld [smem:$0x3FB3];
	_ =	sdelay $0x3  }
0x33: {  	p0 =	seq.s32 s10, $0x1;
	s10 =	sld [smem:$0x3FB5];
	_ =	sdelay $0x3  }
0x34: {  	[smem:$0x3FB5] =	sst s10  }
0x35: {  	s10 =	sld [smem:$0x3FB4];
	_ =	sdelay $0x3  }
0x36: {  	p1 =	seq.s32 s10, $0x1;
	s10 =	sld [smem:$0x3FB5];
	_ =	sdelay $0x3  }
0x37: {  	[smem:$0x3FB5] =	sst s10  }
0x38: {  	s10 =	sld [smem:$0x3FB6]  }
0x39: {  	_ = 	snop;
	(pc) =	sbr.ind lr, $3  }
0x3a: {  	_ = 	snop  }
0x3b: {  	_ = 	snop  }
0x3c: {  	p2 =	seq.s32 s10, $0x1;
	s10 =	sld [smem:$0x3FB5]  }
0x3d: {  	_ =	shalt  }
0x3e: {  	_ =	shalt  }
0x3f: {  	_ =	shalt  }
0x40: {  	_ =	shalt  }
0x41: {  	_ =	shalt  }
0x42: {  	_ =	shalt  }
0x43: {  	_ =	shalt  }
0x44: {  	_ =	shalt  }
0x45: {  	_ =	shalt  }
0x46: {  	_ =	shalt  }
0x47: {  	_ =	shalt  }
0x48: {  	_ =	shalt  }
0x49: {  	_ =	shalt  }
0x4a: {  	_ =	shalt  }
0x4b: {  	_ =	shalt  }
0x4c: {  	_ =	shalt  }
0x4d: {  	_ =	shalt  }
0x4e: {  	_ =	shalt  }
0x4f: {  	_ =	shalt  }
0x50: {  	_ =	shalt  }
0x51: {  	_ =	shalt  }
0x52: {  	_ =	shalt  }
0x53: {  	_ =	shalt  }
0x54: {  	_ =	shalt  }
0x55: {  	_ =	shalt  }
0x56: {  	_ =	shalt  }
0x57: {  	_ =	shalt  }
0x58: {  	_ =	shalt  }
0x59: {  	_ =	shalt  }
0x5a: {  	_ =	shalt  }
0x5b: {  	_ =	shalt  }
0x5c: {  	_ =	shalt  }
0x5d: {  	_ =	shalt  }
0x5e: {  	_ =	shalt  }
0x5f: {  	_ =	shalt  }
0x60: {  	_ =	shalt  }
0x61: {  	_ =	shalt  }
0x62: {  	_ =	shalt  }
0x63: {  	_ =	shalt  }
0x64: {  	_ =	shalt  }
0x65: {  	_ =	shalt  }
0x66: {  	_ =	shalt  }
0x67: {  	_ =	shalt  }
0x68: {  	_ =	shalt  }
0x69: {  	_ =	shalt  }
0x6a: {  	_ =	shalt  }
0x6b: {  	_ =	shalt  }
0x6c: {  	_ =	shalt  }
0x6d: {  	_ =	shalt  }
0x6e: {  	_ =	shalt  }
0x6f: {  	_ =	shalt  }
0x70: {  	_ =	shalt  }
0x71: {  	_ =	shalt  }
0x72: {  	_ =	shalt  }
0x73: {  	_ =	shalt  }
0x74: {  	_ =	shalt  }
0x75: {  	_ =	shalt  }
0x76: {  	_ =	shalt  }
0x77: {  	_ =	shalt  }
0x78: {  	_ =	shalt  }
0x79: {  	_ =	shalt  }
0x7a: {  	_ =	shalt  }
0x7b: {  	_ =	shalt  }
0x7c: {  	_ =	shalt  }
0x7d: {  	_ =	shalt  }
0x7e: {  	_ =	shalt  }
0x7f: {  	_ =	shalt  }
0x80: {  	_ =	shalt  }
0x81: {  	_ =	shalt  }
0x82: {  	_ =	shalt  }
0x83: {  	_ =	shalt  }
0x84: {  	_ =	shalt  }
0x85: {  	_ =	shalt  }
0x86: {  	_ =	shalt  }
0x87: {  	_ =	shalt  }
.Lfunc_end0:
.L_simem_size_0:
called_computation_lowered:
.L_overlay_start_0:
0x88: {  	s2 =	sld [smem:$0x3FD9]  }
0x89: {  	s3 =	sld [smem:$0x3FFE];
	_ =	sdelay $0x1  }
0x8a: {  	s1 =	srdreg.scid  }
0x8b: {  	s0 =	sand.u32 $0x1, s1  }
0x8c: {  	s17 =	sshll.u32 s0, $0xA;
	s2 =	sadd.s32 s3, s2  }
0x8d: {  	s2 =	sadd.s32 s2, s17  }
0x8e: {  	[smem:$0x3FC1] =	sst s2  }
0x8f: {  	_ = 	snop  }
0x90: {  	s2 =	sld [smem:$0x3FC9]  }
0x91: {  	s18 =	sld [smem:$0x3FC7];
	(tm) =	ssettm $0x1  }
0x92: {  	s4 =	sld [smem:$0x3FFB];
	_ =	sdelay $0x3  }
0x93: {  	_ =	strace s4  }
0x94: {  	s4 =	sld [smem:$0x3FFC];
	_ =	sdelay $0x3  }
0x95: {  	_ =	strace s4  }
0x96: {  	s4 =	sld [smem:$0x3FFD];
	_ =	sdelay $0x3  }
0x97: {  	_ =	strace s4  }
0x98: {  	_ =	strace $0x8FFFFFFF  }
0x99: {  	s19 =	sld [smem:$0x3FDB];
	_ =	sdelay $0x1  }
0x9a: {  	s5 =	simm.s32 $_scs_section_size  }
0x9b: {  	s6 =	simm.s32 $_size__tile_overlayer_lowered;
	s7 =	simm.s32 $_tile_overlayer_lowered  }
0x9c: {  	s22 =	simm.s32 $0x1BFF;
	s21 =	sshll.u32 s7, $0x1;
	s4 =	sadd.s32 s5, s19  }
0x9d: {  	s8 =	simm.s32 $0x0;
	s20 =	sshll.u32 s6, $0x1;
	s6 =	sadd.s32 s21, s4  }
0x9e: {  	[timem:s8], [sflag:s22] =	dma.local [hbm:s6], s20  }
0x9f: {  	_ =	swait.ge [sflag:s22], s20  }
0xa0: {  	s5 =	ssub.s32 $0x0, s20;
	[sflag:s22] =	ssyncset.done $0x0  }
0xa1: {  	[sflag:s22] =	ssyncadd.s32 s5;
	_ =	sdelay $0x1  }
0xa2: {  	s23 =	simm.s32 $0x1B8B  }
0xa3: {  	_ =	swait.ge [sflag:s23], $0x1  }
0xa4: {  	[sflag:s23] =	ssyncset.done $0x0  }
0xa5: {  	s25 =	simm.s32 $0x1B8E;
	s24 =	sld [smem:$0x3FFE];
	[sflag:s23] =	ssyncadd.s32 $0xFFFFFFFF  }
0xa6: {  	s26 =	simm.s32 $execute0_lowered;
	[smem:$0x3FD2] =	sst s25  }
0xa7: {  	s6 =	sshll.u32 s26, $0x1;
	_ =	strace $0x80000046;
	[dreg:$0x1] =	wrdreg $0xFFFFFFFF  }
0xa8: {  	s28 =	simm.s32 $_size_execute0_lowered;
	s4 =	sadd.s32 s4, s6;
	[dreg:$0x0] =	wrdreg $0x0  }
0xa9: {  	s6 =	sshll.u32 s28, $0x1;
	[dreg:$0x2] =	wrdreg s4  }
0xaa: {  	[dreg:$0x3] =	wrdreg s6  }
0xab: {  	[dreg:$0x4] =	wrdreg $0xC0  }
0xac: {  	_ =	task [dreg:s8], $0x5FFFF  }
0xad: {  	[dreg:$0x1] =	wrdreg $0xFFFFFFFF  }
0xae: {  	[dreg:$0x0] =	wrdreg $0x60  }
0xaf: {  	[dreg:$0x2] =	wrdreg s18  }
0xb0: {  	[dreg:$0x3] =	wrdreg s2  }
0xb1: {  	[dreg:$0x4] =	wrdreg s24  }
0xb2: {  	[dreg:$0x5] =	wrdreg $0x9  }
0xb3: {  	_ =	task.clear_ibuf [dreg:s8], $0x6FFFF;
	_ =	strace $0x90000046  }
0xb4: {  	s29 =	simm.s32 $0x9;
	_ =	strace $0x80000048  }
0xb5: {  	_ =	swait.ge [sflag:s29], $0x1  }
0xb6: {  	[sflag:s29] =	ssyncadd.s32 $0xFFFFFFFF  }
0xb7: {  	_ =	strace $0x90000048  }
0xb8: {  	_ =	sfence  }
0xb9: {  	s30 =	sld [smem:$0x0];
	_ =	sdelay $0x2  }
0xba: {  	s31 =	sshll.u32 s1, $0xD;
	s1 =	sshrl.u32 s1, $0x2  }
0xbb: {  	s3 =	sand.u32 $0x4000, s31;
	s1 =	sadd.s32 s1, s30  }
0xbc: {  	s0 =	sor.u32 s3, s0;
	s1 =	sshll.u32 s1, $0x11  }
0xbd: {  	s0 =	sor.u32 s1, s0  }
0xbe: {  	s0 =	sadd.s32 $0x8F2B, s0  }
0xbf: {  	[sflag:s0] =	ssyncadd.remote.s32 $0x1  }
0xc0: {  	_ =	sfence.sel $0xFFFF  }
0xc1: {  	[dreg:$0x0] =	wrdreg $0xFFFFFFFF;
	(pc) =	sbr.abs _section_cstart, $3  }
0xc2: {  	[dreg:$0x1] =	wrdreg $0xFFFFFFFF  }
0xc3: {  	_ =	task.clear_ibuf [dreg:s8], $0x2FFFF;
	_ =	strace $0x9FFFFFFF  }
0xc4: {  	(tm) =	ssettm $0x7FFFFFFF  }
0xc5: {  	_ =	shalt  }
tec
execute0_lowered:
.L_overlay_start_1:
0x0: {  	(tag) =	ssettag $0x1  }
0x1: {  	s1 =	rddreg [dreg:$0x0]  }
0x2: {  	s0 =	rddreg [dreg:$0x1]  }
0x3: {  	s2 =	rddreg [dreg:$0x2];
	s4 =	srdreg.scid  }
0x4: {  	s6 =	stileid.u32;
	s3 =	simm.s32 $0x0;
	s25 =	simm.s32 $0x80  }
0x5: {  	s26 =	simm.s32 $0x200;
	s15 =	simm.s32 $0x1900;
	s16 =	simm.s32 $0x2100  }
0x6: {  	s17 =	simm.s32 $0x2900;
	s18 =	simm.s32 $0x3100;
	s28 =	simm.s32 $0x7900  }
0x7: {  	s29 =	simm.s32 $0x8100;
	s30 =	simm.s32 $0x8900;
	s31 =	simm.s32 $0x9100  }
0x8: {  	s9 =	simm.s32 $0xA900;
	s10 =	simm.s32 $0xB900;
	s11 =	simm.s32 $0xC100  }
0x9: {  	s4 =	sand.u32 $0x1, s4;
	s5 =	sshll.u32 s6, $0x1;
	[smem:$0x7FF] =	sst s3  }
0xa: {  	s6 =	sshll.u32 s6, $0x2;
	s2 =	sadd.s32 $0x1200, s2;
	s5 =	sor.u32 s4, s5  }
0xb: {  	_ =	strace $0x80000047;
	s6 =	sand.u32 $0x30, s6;
	[dreg:$0x8] =	wrdreg s25  }
0xc: {  	s4 =	ssub.s32 $0x2, s4;
	[dreg:$0x9] =	wrdreg s26;
	s25 =	simm.s32 $0x6900  }
0xd: {  	s26 =	simm.s32 $0x7100;
	s7 =	smul.u32 $0x6000, s5;
	s8 =	sshll.u32 s5, $0x7  }
0xe: {  	s5 =	smul.u32 $0x30000, s5;
	s0 =	sadd.s32 s0, s6;
	s22 =	sshrl.u32 s4, $0x1  }
0xf: {  	s6 =	sadd.s32 $0x200, s1;
	s8 =	sand.u32 $0x380, s8;
	s24 =	ssub.s32 s4, s22  }
0x10: {  	s22 =	simm.s32 $0x5100;
	s0 =	sadd.s32 s8, s0;
	s19 =	sadd.s32 s2, s7  }
0x11: {  	s5 =	sshrl.u32 s5, $0x3;
	s4 =	smax.u32 s24, $0x1;
	[dreg:$0x4] =	wrdreg s0  }
0x12: {  	s8 =	simm.s32 $0x3;
	s24 =	simm.s32 $0x6100;
	[dreg:$0xa] =	wrdreg s19  }
0x13: {  	s20 =	sadd.s32 $0x1800, s19;
	s2 =	sadd.s32 s2, s5;
	s5 =	sadd.s32 $0x100, s1  }
0x14: {  	v2 =	vlaneseq.u32;
	s19 =	simm.s32 $0x3900;
	[dreg:$0x5] =	wrdreg s20;
	s21 =	sadd.s32 $0x3000, s2  }
0x15: {  	vm0 =	vmmov $0xffff;
	v1 =	vshrl.u32 v2, $0x3;
	s23 =	sadd.s32 $0x4800, s2;
	s20 =	simm.s32 $0x4100;
	[dreg:$0x6] =	wrdreg s21  }
0x16: {  	v0 =	vand.u32 $0x7, v2;
	v2 =	vor.u32 $0x8, v2;
	v1 =	vmul.u32 $0x8, v1;
	[dreg:$0x7] =	wrdreg s23;
	s21 =	simm.s32 $0x4900;
	s23 =	simm.s32 $0x5900  }
.LBB2_1:
0x17: {  	s12 =	rddreg [dreg:$0x4]  }
0x18: {  	s13 =	rddreg [dreg:$0x8]  }
0x19: {  	s14 =	rddreg [dreg:$0x9]  }
0x1a: {  	[tilespmem:s3], [sflag:$0x3] =	stream.strided.gather [hbm4b:s12+s13], $0x100, s14, s13, $0x38;
	[tilespmem:$0x18100] =	vst v63  }
0x1b: {  	_ =	swait.ge [sflag:s8], $0x100  }
0x1c: {  	[sflag:s8] =	ssyncset.done $0x0  }
0x1d: {  	[sflag:s8] =	ssyncadd.s32 $0xFFFFFF00  }
0x1e: {  	v3 =	vld [tilespmem:$0x0];
	_ =	sdelay $0x4  }
0x1f: {  	v4 =	vshrl.u32 v3, $0x3  }
0x20: {  	v4 =	vmul.u32 $0x30, v4  }
0x21: {  	v3 =	vand.u32 $0x7, v3  }
0x22: {  	v3 =	vor.u32 v3, v4  }
0x23: {  	v4 =	vperm.xlane v3, v0;
	_ =	sdelay $0x1  }
0x24: {  	v4 =	vadd.s32 v1, v4;
	_ =	sdelay $0x3  }
0x25: {  	s0 =	simm.s32 $0x100;
	v3 =	vperm.xlane v3, v2  }
0x26: {  	[tilespmem:s0], [sflag:$0x1] =	stream.indirect_vreg.gather [hbm4b:s1+s3], $0x80, v4, vm0, $0xb8;
	[tilespmem:$0x18100] =	vst v63  }
0x27: {  	s13 =	simm.s32 $0x900;
	v3 =	vadd.s32 v1, v3  }
0x28: {  	[tilespmem:s13], [sflag:$0x1] =	stream.indirect_vreg.gather [hbm4b:s5+s3], $0x80, v4, vm0, $0xb8;
	[tilespmem:$0x18100] =	vst v63  }
0x29: {  	s14 =	simm.s32 $0x1100  }
0x2a: {  	[tilespmem:s14], [sflag:$0x1] =	stream.indirect_vreg.gather [hbm4b:s6+s3], $0x80, v4, vm0, $0xb8;
	[tilespmem:$0x18100] =	vst v63  }
0x2b: {  	_ = 	snop  }
0x2c: {  	[tilespmem:s15], [sflag:$0x1] =	stream.indirect_vreg.gather [hbm4b:s1+s3], $0x80, v3, vm0, $0xb8;
	[tilespmem:$0x18100] =	vst v63  }
0x2d: {  	_ = 	snop  }
0x2e: {  	[tilespmem:s16], [sflag:$0x1] =	stream.indirect_vreg.gather [hbm4b:s5+s3], $0x80, v3, vm0, $0xb8;
	[tilespmem:$0x18100] =	vst v63  }
0x2f: {  	_ = 	snop  }
0x30: {  	[tilespmem:s17], [sflag:$0x1] =	stream.indirect_vreg.gather [hbm4b:s6+s3], $0x80, v3, vm0, $0xb8;
	[tilespmem:$0x18100] =	vst v63  }
0x31: {  	v3 =	vld [tilespmem:$0x10];
	_ =	sdelay $0x4  }
0x32: {  	v49 =	vshrl.u32 v3, $0x3  }
0x33: {  	v4 =	vmul.u32 $0x30, v49  }
0x34: {  	v3 =	vand.u32 $0x7, v3  }
0x35: {  	v3 =	vor.u32 v3, v4  }
0x36: {  	v4 =	vperm.xlane v3, v0;
	_ =	sdelay $0x1  }
0x37: {  	v4 =	vadd.s32 v1, v4;
	_ =	sdelay $0x3  }
0x38: {  	v3 =	vperm.xlane v3, v2  }
0x39: {  	[tilespmem:s18], [sflag:$0x1] =	stream.indirect_vreg.gather [hbm4b:s1+s3], $0x80, v4, vm0, $0xb8;
	[tilespmem:$0x18100] =	vst v63  }
0x3a: {  	v3 =	vadd.s32 v1, v3  }
0x3b: {  	[tilespmem:s19], [sflag:$0x1] =	stream.indirect_vreg.gather [hbm4b:s5+s3], $0x80, v4, vm0, $0xb8;
	[tilespmem:$0x18100] =	vst v63  }
0x3c: {  	_ = 	snop  }
0x3d: {  	[tilespmem:s20], [sflag:$0x1] =	stream.indirect_vreg.gather [hbm4b:s6+s3], $0x80, v4, vm0, $0xb8;
	[tilespmem:$0x18100] =	vst v63  }
0x3e: {  	_ = 	snop  }
0x3f: {  	[tilespmem:s21], [sflag:$0x1] =	stream.indirect_vreg.gather [hbm4b:s1+s3], $0x80, v3, vm0, $0xb8;
	[tilespmem:$0x18100] =	vst v63  }
0x40: {  	_ = 	snop  }
0x41: {  	[tilespmem:s22], [sflag:$0x1] =	stream.indirect_vreg.gather [hbm4b:s5+s3], $0x80, v3, vm0, $0xb8;
	[tilespmem:$0x18100] =	vst v63  }
0x42: {  	_ = 	snop  }
0x43: {  	[tilespmem:s23], [sflag:$0x1] =	stream.indirect_vreg.gather [hbm4b:s6+s3], $0x80, v3, vm0, $0xb8;
	[tilespmem:$0x18100] =	vst v63  }
0x44: {  	v3 =	vld [tilespmem:$0x20];
	_ =	sdelay $0x4  }
0x45: {  	v50 =	vshrl.u32 v3, $0x3  }
0x46: {  	v4 =	vmul.u32 $0x30, v50  }
0x47: {  	v3 =	vand.u32 $0x7, v3  }
0x48: {  	v3 =	vor.u32 v3, v4  }
0x49: {  	v4 =	vperm.xlane v3, v0;
	_ =	sdelay $0x1  }
0x4a: {  	v4 =	vadd.s32 v1, v4;
	_ =	sdelay $0x3  }
0x4b: {  	v3 =	vperm.xlane v3, v2  }
0x4c: {  	[tilespmem:s24], [sflag:$0x1] =	stream.indirect_vreg.gather [hbm4b:s1+s3], $0x80, v4, vm0, $0xb8;
	[tilespmem:$0x18100] =	vst v63  }
0x4d: {  	v3 =	vadd.s32 v1, v3  }
0x4e: {  	[tilespmem:s25], [sflag:$0x1] =	stream.indirect_vreg.gather [hbm4b:s5+s3], $0x80, v4, vm0, $0xb8;
	[tilespmem:$0x18100] =	vst v63  }
0x4f: {  	_ = 	snop  }
0x50: {  	[tilespmem:s26], [sflag:$0x1] =	stream.indirect_vreg.gather [hbm4b:s6+s3], $0x80, v4, vm0, $0xb8;
	[tilespmem:$0x18100] =	vst v63  }
0x51: {  	_ = 	snop  }
0x52: {  	[tilespmem:s28], [sflag:$0x1] =	stream.indirect_vreg.gather [hbm4b:s1+s3], $0x80, v3, vm0, $0xb8;
	[tilespmem:$0x18100] =	vst v63  }
0x53: {  	_ = 	snop  }
0x54: {  	[tilespmem:s29], [sflag:$0x1] =	stream.indirect_vreg.gather [hbm4b:s5+s3], $0x80, v3, vm0, $0xb8;
	[tilespmem:$0x18100] =	vst v63  }
0x55: {  	_ = 	snop  }
0x56: {  	[tilespmem:s30], [sflag:$0x1] =	stream.indirect_vreg.gather [hbm4b:s6+s3], $0x80, v3, vm0, $0xb8;
	[tilespmem:$0x18100] =	vst v63  }
0x57: {  	v3 =	vld [tilespmem:$0x30];
	_ =	sdelay $0x4  }
0x58: {  	v51 =	vshrl.u32 v3, $0x3  }
0x59: {  	v4 =	vmul.u32 $0x30, v51  }
0x5a: {  	v3 =	vand.u32 $0x7, v3  }
0x5b: {  	v3 =	vor.u32 v3, v4  }
0x5c: {  	v4 =	vperm.xlane v3, v0;
	_ =	sdelay $0x1  }
0x5d: {  	v4 =	vadd.s32 v1, v4;
	_ =	sdelay $0x3  }
0x5e: {  	v3 =	vperm.xlane v3, v2  }
0x5f: {  	[tilespmem:s31], [sflag:$0x1] =	stream.indirect_vreg.gather [hbm4b:s1+s3], $0x80, v4, vm0, $0xb8;
	[tilespmem:$0x18100] =	vst v63  }
0x60: {  	s2 =	simm.s32 $0x9900;
	v3 =	vadd.s32 v1, v3  }
0x61: {  	[tilespmem:s2], [sflag:$0x1] =	stream.indirect_vreg.gather [hbm4b:s5+s3], $0x80, v4, vm0, $0xb8;
	[tilespmem:$0x18100] =	vst v63  }
0x62: {  	s2 =	simm.s32 $0xA100  }
0x63: {  	[tilespmem:s2], [sflag:$0x1] =	stream.indirect_vreg.gather [hbm4b:s6+s3], $0x80, v4, vm0, $0xb8;
	[tilespmem:$0x18100] =	vst v63  }
0x64: {  	_ = 	snop  }
0x65: {  	[tilespmem:s9], [sflag:$0x1] =	stream.indirect_vreg.gather [hbm4b:s1+s3], $0x80, v3, vm0, $0xb8;
	[tilespmem:$0x18100] =	vst v63  }
0x66: {  	s7 =	simm.s32 $0xB100  }
0x67: {  	[tilespmem:s7], [sflag:$0x1] =	stream.indirect_vreg.gather [hbm4b:s5+s3], $0x80, v3, vm0, $0xb8;
	[tilespmem:$0x18100] =	vst v63  }
0x68: {  	_ = 	snop  }
0x69: {  	[tilespmem:s10], [sflag:$0x1] =	stream.indirect_vreg.gather [hbm4b:s6+s3], $0x80, v3, vm0, $0xb8;
	[tilespmem:$0x18100] =	vst v63  }
0x6a: {  	v3 =	vld [tilespmem:$0x40];
	_ =	sdelay $0x4  }
0x6b: {  	v52 =	vshrl.u32 v3, $0x3  }
0x6c: {  	v4 =	vmul.u32 $0x30, v52  }
0x6d: {  	v3 =	vand.u32 $0x7, v3  }
0x6e: {  	v3 =	vor.u32 v3, v4  }
0x6f: {  	v4 =	vperm.xlane v3, v0;
	_ =	sdelay $0x1  }
0x70: {  	v4 =	vadd.s32 v1, v4;
	_ =	sdelay $0x3  }
0x71: {  	v3 =	vperm.xlane v3, v2  }
0x72: {  	[tilespmem:s11], [sflag:$0x2] =	stream.indirect_vreg.gather [hbm4b:s1+s3], $0x80, v4, vm0, $0xb8;
	[tilespmem:$0x18100] =	vst v63  }
0x73: {  	s12 =	simm.s32 $0xC900;
	v3 =	vadd.s32 v1, v3  }
0x74: {  	[tilespmem:s12], [sflag:$0x2] =	stream.indirect_vreg.gather [hbm4b:s5+s3], $0x80, v4, vm0, $0xb8;
	[tilespmem:$0x18100] =	vst v63  }
0x75: {  	s7 =	simm.s32 $0xD100  }
0x76: {  	[tilespmem:s7], [sflag:$0x2] =	stream.indirect_vreg.gather [hbm4b:s6+s3], $0x80, v4, vm0, $0xb8;
	[tilespmem:$0x18100] =	vst v63  }
0x77: {  	s12 =	simm.s32 $0xD900  }
0x78: {  	[tilespmem:s12], [sflag:$0x2] =	stream.indirect_vreg.gather [hbm4b:s1+s3], $0x80, v3, vm0, $0xb8;
	[tilespmem:$0x18100] =	vst v63  }
0x79: {  	s7 =	simm.s32 $0xE100  }
0x7a: {  	[tilespmem:s7], [sflag:$0x2] =	stream.indirect_vreg.gather [hbm4b:s5+s3], $0x80, v3, vm0, $0xb8;
	[tilespmem:$0x18100] =	vst v63  }
0x7b: {  	s12 =	simm.s32 $0xE900  }
0x7c: {  	[tilespmem:s12], [sflag:$0x2] =	stream.indirect_vreg.gather [hbm4b:s6+s3], $0x80, v3, vm0, $0xb8;
	[tilespmem:$0x18100] =	vst v63  }
0x7d: {  	v3 =	vld [tilespmem:$0x50];
	_ =	sdelay $0x4  }
0x7e: {  	v53 =	vshrl.u32 v3, $0x3  }
0x7f: {  	v4 =	vmul.u32 $0x30, v53  }
0x80: {  	v3 =	vand.u32 $0x7, v3  }
0x81: {  	v3 =	vor.u32 v3, v4  }
0x82: {  	v4 =	vperm.xlane v3, v0;
	_ =	sdelay $0x1  }
0x83: {  	v4 =	vadd.s32 v1, v4;
	_ =	sdelay $0x3  }
0x84: {  	s7 =	simm.s32 $0xF100;
	v3 =	vperm.xlane v3, v2  }
0x85: {  	[tilespmem:s7], [sflag:$0x2] =	stream.indirect_vreg.gather [hbm4b:s1+s3], $0x80, v4, vm0, $0xb8;
	[tilespmem:$0x18100] =	vst v63  }
0x86: {  	s12 =	simm.s32 $0xF900;
	v3 =	vadd.s32 v1, v3  }
0x87: {  	[tilespmem:s12], [sflag:$0x2] =	stream.indirect_vreg.gather [hbm4b:s5+s3], $0x80, v4, vm0, $0xb8;
	[tilespmem:$0x18100] =	vst v63  }
0x88: {  	s7 =	simm.s32 $0x10100  }
0x89: {  	[tilespmem:s7], [sflag:$0x2] =	stream.indirect_vreg.gather [hbm4b:s6+s3], $0x80, v4, vm0, $0xb8;
	[tilespmem:$0x18100] =	vst v63  }
0x8a: {  	s12 =	simm.s32 $0x10900  }
0x8b: {  	[tilespmem:s12], [sflag:$0x2] =	stream.indirect_vreg.gather [hbm4b:s1+s3], $0x80, v3, vm0, $0xb8;
	[tilespmem:$0x18100] =	vst v63  }
0x8c: {  	s7 =	simm.s32 $0x11100  }
0x8d: {  	[tilespmem:s7], [sflag:$0x2] =	stream.indirect_vreg.gather [hbm4b:s5+s3], $0x80, v3, vm0, $0xb8;
	[tilespmem:$0x18100] =	vst v63  }
0x8e: {  	s12 =	simm.s32 $0x11900  }
0x8f: {  	[tilespmem:s12], [sflag:$0x2] =	stream.indirect_vreg.gather [hbm4b:s6+s3], $0x80, v3, vm0, $0xb8;
	[tilespmem:$0x18100] =	vst v63  }
0x90: {  	v3 =	vld [tilespmem:$0x60];
	_ =	sdelay $0x4  }
0x91: {  	v54 =	vshrl.u32 v3, $0x3  }
0x92: {  	v4 =	vmul.u32 $0x30, v54  }
0x93: {  	v3 =	vand.u32 $0x7, v3  }
0x94: {  	v3 =	vor.u32 v3, v4  }
0x95: {  	v4 =	vperm.xlane v3, v0;
	_ =	sdelay $0x1  }
0x96: {  	v4 =	vadd.s32 v1, v4;
	_ =	sdelay $0x3  }
0x97: {  	s7 =	simm.s32 $0x12100;
	v3 =	vperm.xlane v3, v2  }
0x98: {  	[tilespmem:s7], [sflag:$0x2] =	stream.indirect_vreg.gather [hbm4b:s1+s3], $0x80, v4, vm0, $0xb8;
	[tilespmem:$0x18100] =	vst v63  }
0x99: {  	s12 =	simm.s32 $0x12900;
	v3 =	vadd.s32 v1, v3  }
0x9a: {  	[tilespmem:s12], [sflag:$0x2] =	stream.indirect_vreg.gather [hbm4b:s5+s3], $0x80, v4, vm0, $0xb8;
	[tilespmem:$0x18100] =	vst v63  }
0x9b: {  	s7 =	simm.s32 $0x13100  }
0x9c: {  	[tilespmem:s7], [sflag:$0x2] =	stream.indirect_vreg.gather [hbm4b:s6+s3], $0x80, v4, vm0, $0xb8;
	[tilespmem:$0x18100] =	vst v63  }
0x9d: {  	s12 =	simm.s32 $0x13900  }
0x9e: {  	[tilespmem:s12], [sflag:$0x2] =	stream.indirect_vreg.gather [hbm4b:s1+s3], $0x80, v3, vm0, $0xb8;
	[tilespmem:$0x18100] =	vst v63  }
0x9f: {  	s7 =	simm.s32 $0x14100  }
0xa0: {  	[tilespmem:s7], [sflag:$0x2] =	stream.indirect_vreg.gather [hbm4b:s5+s3], $0x80, v3, vm0, $0xb8;
	[tilespmem:$0x18100] =	vst v63  }
0xa1: {  	s12 =	simm.s32 $0x14900  }
0xa2: {  	[tilespmem:s12], [sflag:$0x2] =	stream.indirect_vreg.gather [hbm4b:s6+s3], $0x80, v3, vm0, $0xb8;
	[tilespmem:$0x18100] =	vst v63  }
0xa3: {  	v3 =	vld [tilespmem:$0x70];
	_ =	sdelay $0x4  }
0xa4: {  	v55 =	vshrl.u32 v3, $0x3  }
0xa5: {  	v4 =	vmul.u32 $0x30, v55  }
0xa6: {  	v3 =	vand.u32 $0x7, v3  }
0xa7: {  	v3 =	vor.u32 v3, v4  }
0xa8: {  	v4 =	vperm.xlane v3, v0;
	_ =	sdelay $0x1  }
0xa9: {  	v4 =	vadd.s32 v1, v4;
	_ =	sdelay $0x3  }
0xaa: {  	s7 =	simm.s32 $0x15100;
	v3 =	vperm.xlane v3, v2  }
0xab: {  	[tilespmem:s7], [sflag:$0x2] =	stream.indirect_vreg.gather [hbm4b:s1+s3], $0x80, v4, vm0, $0xb8;
	[tilespmem:$0x18100] =	vst v63  }
0xac: {  	s12 =	simm.s32 $0x15900;
	v3 =	vadd.s32 v1, v3  }
0xad: {  	[tilespmem:s12], [sflag:$0x2] =	stream.indirect_vreg.gather [hbm4b:s5+s3], $0x80, v4, vm0, $0xb8;
	[tilespmem:$0x18100] =	vst v63  }
0xae: {  	s7 =	simm.s32 $0x16100  }
0xaf: {  	[tilespmem:s7], [sflag:$0x2] =	stream.indirect_vreg.gather [hbm4b:s6+s3], $0x80, v4, vm0, $0xb8;
	[tilespmem:$0x18100] =	vst v63  }
0xb0: {  	s12 =	simm.s32 $0x16900  }
0xb1: {  	[tilespmem:s12], [sflag:$0x2] =	stream.indirect_vreg.gather [hbm4b:s1+s3], $0x80, v3, vm0, $0xb8;
	[tilespmem:$0x18100] =	vst v63  }
0xb2: {  	s7 =	simm.s32 $0x17100  }
0xb3: {  	[tilespmem:s7], [sflag:$0x2] =	stream.indirect_vreg.gather [hbm4b:s5+s3], $0x80, v3, vm0, $0xb8;
	[tilespmem:$0x18100] =	vst v63  }
0xb4: {  	s0 =	simm.s32 $0x1;
	s12 =	simm.s32 $0x17900  }
0xb5: {  	[tilespmem:s12], [sflag:$0x2] =	stream.indirect_vreg.gather [hbm4b:s6+s3], $0x80, v3, vm0, $0xb8;
	[tilespmem:$0x18100] =	vst v63  }
0xb6: {  	_ =	swait.ge [sflag:s0], $0xC000  }
0xb7: {  	[sflag:s0] =	ssyncset.done $0x0  }
0xb8: {  	s7 =	simm.s32 $0x100;
	s12 =	rddreg [dreg:$0xa];
	[sflag:s0] =	ssyncadd.s32 $0xFFFF4000  }
0xb9: {  	[hbm4b:s12+s3] =	stream.linear.scatter [tilespmem:s7], [sflag:$0x3], $0xC000, $0x38;
	[tilespmem:$0x18100] =	vst v63  }
0xba: {  	_ =	swait.ge [sflag:s8], $0xC000  }
0xbb: {  	[sflag:s8] =	ssyncset.done $0x0  }
0xbc: {  	[sflag:s8] =	ssyncadd.s32 $0xFFFF4000  }
0xbd: {  	v3 =	vld [tilespmem:$0x80];
	_ =	sdelay $0x4  }
0xbe: {  	v56 =	vshrl.u32 v3, $0x3  }
0xbf: {  	v4 =	vmul.u32 $0x30, v56  }
0xc0: {  	v3 =	vand.u32 $0x7, v3  }
0xc1: {  	v3 =	vor.u32 v3, v4  }
0xc2: {  	v4 =	vperm.xlane v3, v0;
	_ =	sdelay $0x1  }
0xc3: {  	v4 =	vadd.s32 v1, v4;
	_ =	sdelay $0x3  }
0xc4: {  	v3 =	vperm.xlane v3, v2  }
0xc5: {  	[tilespmem:s7], [sflag:$0x1] =	stream.indirect_vreg.gather [hbm4b:s1+s3], $0x80, v4, vm0, $0xb8;
	[tilespmem:$0x18100] =	vst v63  }
0xc6: {  	v3 =	vadd.s32 v1, v3  }
0xc7: {  	[tilespmem:s13], [sflag:$0x1] =	stream.indirect_vreg.gather [hbm4b:s5+s3], $0x80, v4, vm0, $0xb8;
	[tilespmem:$0x18100] =	vst v63  }
0xc8: {  	_ = 	snop  }
0xc9: {  	[tilespmem:s14], [sflag:$0x1] =	stream.indirect_vreg.gather [hbm4b:s6+s3], $0x80, v4, vm0, $0xb8;
	[tilespmem:$0x18100] =	vst v63  }
0xca: {  	_ = 	snop  }
0xcb: {  	[tilespmem:s15], [sflag:$0x1] =	stream.indirect_vreg.gather [hbm4b:s1+s3], $0x80, v3, vm0, $0xb8;
	[tilespmem:$0x18100] =	vst v63  }
0xcc: {  	_ = 	snop  }
0xcd: {  	[tilespmem:s16], [sflag:$0x1] =	stream.indirect_vreg.gather [hbm4b:s5+s3], $0x80, v3, vm0, $0xb8;
	[tilespmem:$0x18100] =	vst v63  }
0xce: {  	_ = 	snop  }
0xcf: {  	[tilespmem:s17], [sflag:$0x1] =	stream.indirect_vreg.gather [hbm4b:s6+s3], $0x80, v3, vm0, $0xb8;
	[tilespmem:$0x18100] =	vst v63  }
0xd0: {  	v3 =	vld [tilespmem:$0x90];
	_ =	sdelay $0x4  }
0xd1: {  	v57 =	vshrl.u32 v3, $0x3  }
0xd2: {  	v4 =	vmul.u32 $0x30, v57  }
0xd3: {  	v3 =	vand.u32 $0x7, v3  }
0xd4: {  	v3 =	vor.u32 v3, v4  }
0xd5: {  	v4 =	vperm.xlane v3, v0;
	_ =	sdelay $0x1  }
0xd6: {  	v4 =	vadd.s32 v1, v4;
	_ =	sdelay $0x3  }
0xd7: {  	v3 =	vperm.xlane v3, v2  }
0xd8: {  	[tilespmem:s18], [sflag:$0x1] =	stream.indirect_vreg.gather [hbm4b:s1+s3], $0x80, v4, vm0, $0xb8;
	[tilespmem:$0x18100] =	vst v63  }
0xd9: {  	v3 =	vadd.s32 v1, v3  }
0xda: {  	[tilespmem:s19], [sflag:$0x1] =	stream.indirect_vreg.gather [hbm4b:s5+s3], $0x80, v4, vm0, $0xb8;
	[tilespmem:$0x18100] =	vst v63  }
0xdb: {  	_ = 	snop  }
0xdc: {  	[tilespmem:s20], [sflag:$0x1] =	stream.indirect_vreg.gather [hbm4b:s6+s3], $0x80, v4, vm0, $0xb8;
	[tilespmem:$0x18100] =	vst v63  }
0xdd: {  	_ = 	snop  }
0xde: {  	[tilespmem:s21], [sflag:$0x1] =	stream.indirect_vreg.gather [hbm4b:s1+s3], $0x80, v3, vm0, $0xb8;
	[tilespmem:$0x18100] =	vst v63  }
0xdf: {  	_ = 	snop  }
0xe0: {  	[tilespmem:s22], [sflag:$0x1] =	stream.indirect_vreg.gather [hbm4b:s5+s3], $0x80, v3, vm0, $0xb8;
	[tilespmem:$0x18100] =	vst v63  }
0xe1: {  	_ = 	snop  }
0xe2: {  	[tilespmem:s23], [sflag:$0x1] =	stream.indirect_vreg.gather [hbm4b:s6+s3], $0x80, v3, vm0, $0xb8;
	[tilespmem:$0x18100] =	vst v63  }
0xe3: {  	v3 =	vld [tilespmem:$0xA0];
	_ =	sdelay $0x4  }
0xe4: {  	v58 =	vshrl.u32 v3, $0x3  }
0xe5: {  	v4 =	vmul.u32 $0x30, v58  }
0xe6: {  	v3 =	vand.u32 $0x7, v3  }
0xe7: {  	v3 =	vor.u32 v3, v4  }
0xe8: {  	v4 =	vperm.xlane v3, v0;
	_ =	sdelay $0x1  }
0xe9: {  	v4 =	vadd.s32 v1, v4;
	_ =	sdelay $0x3  }
0xea: {  	v3 =	vperm.xlane v3, v2  }
0xeb: {  	[tilespmem:s24], [sflag:$0x1] =	stream.indirect_vreg.gather [hbm4b:s1+s3], $0x80, v4, vm0, $0xb8;
	[tilespmem:$0x18100] =	vst v63  }
0xec: {  	v3 =	vadd.s32 v1, v3  }
0xed: {  	[tilespmem:s25], [sflag:$0x1] =	stream.indirect_vreg.gather [hbm4b:s5+s3], $0x80, v4, vm0, $0xb8;
	[tilespmem:$0x18100] =	vst v63  }
0xee: {  	_ = 	snop  }
0xef: {  	[tilespmem:s26], [sflag:$0x1] =	stream.indirect_vreg.gather [hbm4b:s6+s3], $0x80, v4, vm0, $0xb8;
	[tilespmem:$0x18100] =	vst v63  }
0xf0: {  	_ = 	snop  }
0xf1: {  	[tilespmem:s28], [sflag:$0x1] =	stream.indirect_vreg.gather [hbm4b:s1+s3], $0x80, v3, vm0, $0xb8;
	[tilespmem:$0x18100] =	vst v63  }
0xf2: {  	_ = 	snop  }
0xf3: {  	[tilespmem:s29], [sflag:$0x1] =	stream.indirect_vreg.gather [hbm4b:s5+s3], $0x80, v3, vm0, $0xb8;
	[tilespmem:$0x18100] =	vst v63  }
0xf4: {  	_ = 	snop  }
0xf5: {  	[tilespmem:s30], [sflag:$0x1] =	stream.indirect_vreg.gather [hbm4b:s6+s3], $0x80, v3, vm0, $0xb8;
	[tilespmem:$0x18100] =	vst v63  }
0xf6: {  	v3 =	vld [tilespmem:$0xB0];
	_ =	sdelay $0x4  }
0xf7: {  	v59 =	vshrl.u32 v3, $0x3  }
0xf8: {  	v4 =	vmul.u32 $0x30, v59  }
0xf9: {  	v3 =	vand.u32 $0x7, v3  }
0xfa: {  	v3 =	vor.u32 v3, v4  }
0xfb: {  	v4 =	vperm.xlane v3, v0;
	_ =	sdelay $0x1  }
0xfc: {  	v4 =	vadd.s32 v1, v4;
	_ =	sdelay $0x3  }
0xfd: {  	v3 =	vperm.xlane v3, v2  }
0xfe: {  	[tilespmem:s31], [sflag:$0x1] =	stream.indirect_vreg.gather [hbm4b:s1+s3], $0x80, v4, vm0, $0xb8;
	[tilespmem:$0x18100] =	vst v63  }
0xff: {  	s13 =	simm.s32 $0x9900;
	v3 =	vadd.s32 v1, v3  }
0x100: {  	[tilespmem:s13], [sflag:$0x1] =	stream.indirect_vreg.gather [hbm4b:s5+s3], $0x80, v4, vm0, $0xb8;
	[tilespmem:$0x18100] =	vst v63  }
0x101: {  	_ = 	snop  }
0x102: {  	[tilespmem:s2], [sflag:$0x1] =	stream.indirect_vreg.gather [hbm4b:s6+s3], $0x80, v4, vm0, $0xb8;
	[tilespmem:$0x18100] =	vst v63  }
0x103: {  	_ = 	snop  }
0x104: {  	[tilespmem:s9], [sflag:$0x1] =	stream.indirect_vreg.gather [hbm4b:s1+s3], $0x80, v3, vm0, $0xb8;
	[tilespmem:$0x18100] =	vst v63  }
0x105: {  	s14 =	simm.s32 $0xB100  }
0x106: {  	[tilespmem:s14], [sflag:$0x1] =	stream.indirect_vreg.gather [hbm4b:s5+s3], $0x80, v3, vm0, $0xb8;
	[tilespmem:$0x18100] =	vst v63  }
0x107: {  	s2 =	simm.s32 $0x2  }
0x108: {  	[tilespmem:s10], [sflag:$0x1] =	stream.indirect_vreg.gather [hbm4b:s6+s3], $0x80, v3, vm0, $0xb8;
	[tilespmem:$0x18100] =	vst v63  }
0x109: {  	_ =	swait.ge [sflag:s2], $0xC000  }
0x10a: {  	[sflag:s2] =	ssyncset.done $0x0  }
0x10b: {  	s7 =	rddreg [dreg:$0x5];
	[sflag:s2] =	ssyncadd.s32 $0xFFFF4000  }
0x10c: {  	[hbm4b:s7+s3] =	stream.linear.scatter [tilespmem:s11], [sflag:$0x3], $0xC000, $0x38;
	[tilespmem:$0x18100] =	vst v63  }
0x10d: {  	_ =	swait.ge [sflag:s8], $0xC000  }
0x10e: {  	[sflag:s8] =	ssyncset.done $0x0  }
0x10f: {  	[sflag:s8] =	ssyncadd.s32 $0xFFFF4000  }
0x110: {  	v3 =	vld [tilespmem:$0xC0];
	_ =	sdelay $0x4  }
0x111: {  	v60 =	vshrl.u32 v3, $0x3  }
0x112: {  	v4 =	vmul.u32 $0x30, v60  }
0x113: {  	v3 =	vand.u32 $0x7, v3  }
0x114: {  	v3 =	vor.u32 v3, v4  }
0x115: {  	v4 =	vperm.xlane v3, v0;
	_ =	sdelay $0x1  }
0x116: {  	v4 =	vadd.s32 v1, v4;
	_ =	sdelay $0x3  }
0x117: {  	v3 =	vperm.xlane v3, v2  }
0x118: {  	[tilespmem:s11], [sflag:$0x2] =	stream.indirect_vreg.gather [hbm4b:s1+s3], $0x80, v4, vm0, $0xb8;
	[tilespmem:$0x18100] =	vst v63  }
0x119: {  	s13 =	simm.s32 $0xC900;
	v3 =	vadd.s32 v1, v3  }
0x11a: {  	[tilespmem:s13], [sflag:$0x2] =	stream.indirect_vreg.gather [hbm4b:s5+s3], $0x80, v4, vm0, $0xb8;
	[tilespmem:$0x18100] =	vst v63  }
0x11b: {  	s14 =	simm.s32 $0xD100  }
0x11c: {  	[tilespmem:s14], [sflag:$0x2] =	stream.indirect_vreg.gather [hbm4b:s6+s3], $0x80, v4, vm0, $0xb8;
	[tilespmem:$0x18100] =	vst v63  }
0x11d: {  	s12 =	simm.s32 $0xD900  }
0x11e: {  	[tilespmem:s12], [sflag:$0x2] =	stream.indirect_vreg.gather [hbm4b:s1+s3], $0x80, v3, vm0, $0xb8;
	[tilespmem:$0x18100] =	vst v63  }
0x11f: {  	s13 =	simm.s32 $0xE100  }
0x120: {  	[tilespmem:s13], [sflag:$0x2] =	stream.indirect_vreg.gather [hbm4b:s5+s3], $0x80, v3, vm0, $0xb8;
	[tilespmem:$0x18100] =	vst v63  }
0x121: {  	s14 =	simm.s32 $0xE900  }
0x122: {  	[tilespmem:s14], [sflag:$0x2] =	stream.indirect_vreg.gather [hbm4b:s6+s3], $0x80, v3, vm0, $0xb8;
	[tilespmem:$0x18100] =	vst v63  }
0x123: {  	v3 =	vld [tilespmem:$0xD0];
	_ =	sdelay $0x4  }
0x124: {  	v61 =	vshrl.u32 v3, $0x3  }
0x125: {  	v4 =	vmul.u32 $0x30, v61  }
0x126: {  	v3 =	vand.u32 $0x7, v3  }
0x127: {  	v3 =	vor.u32 v3, v4  }
0x128: {  	v4 =	vperm.xlane v3, v0;
	_ =	sdelay $0x1  }
0x129: {  	v4 =	vadd.s32 v1, v4;
	_ =	sdelay $0x3  }
0x12a: {  	s12 =	simm.s32 $0xF100;
	v3 =	vperm.xlane v3, v2  }
0x12b: {  	[tilespmem:s12], [sflag:$0x2] =	stream.indirect_vreg.gather [hbm4b:s1+s3], $0x80, v4, vm0, $0xb8;
	[tilespmem:$0x18100] =	vst v63  }
0x12c: {  	s13 =	simm.s32 $0xF900;
	v3 =	vadd.s32 v1, v3  }
0x12d: {  	[tilespmem:s13], [sflag:$0x2] =	stream.indirect_vreg.gather [hbm4b:s5+s3], $0x80, v4, vm0, $0xb8;
	[tilespmem:$0x18100] =	vst v63  }
0x12e: {  	s14 =	simm.s32 $0x10100  }
0x12f: {  	[tilespmem:s14], [sflag:$0x2] =	stream.indirect_vreg.gather [hbm4b:s6+s3], $0x80, v4, vm0, $0xb8;
	[tilespmem:$0x18100] =	vst v63  }
0x130: {  	s12 =	simm.s32 $0x10900  }
0x131: {  	[tilespmem:s12], [sflag:$0x2] =	stream.indirect_vreg.gather [hbm4b:s1+s3], $0x80, v3, vm0, $0xb8;
	[tilespmem:$0x18100] =	vst v63  }
0x132: {  	s13 =	simm.s32 $0x11100  }
0x133: {  	[tilespmem:s13], [sflag:$0x2] =	stream.indirect_vreg.gather [hbm4b:s5+s3], $0x80, v3, vm0, $0xb8;
	[tilespmem:$0x18100] =	vst v63  }
0x134: {  	s14 =	simm.s32 $0x11900  }
0x135: {  	[tilespmem:s14], [sflag:$0x2] =	stream.indirect_vreg.gather [hbm4b:s6+s3], $0x80, v3, vm0, $0xb8;
	[tilespmem:$0x18100] =	vst v63  }
0x136: {  	v3 =	vld [tilespmem:$0xE0];
	_ =	sdelay $0x4  }
0x137: {  	v62 =	vshrl.u32 v3, $0x3  }
0x138: {  	v4 =	vmul.u32 $0x30, v62  }
0x139: {  	v3 =	vand.u32 $0x7, v3  }
0x13a: {  	v3 =	vor.u32 v3, v4  }
0x13b: {  	v4 =	vperm.xlane v3, v0;
	_ =	sdelay $0x1  }
0x13c: {  	v4 =	vadd.s32 v1, v4;
	_ =	sdelay $0x3  }
0x13d: {  	s12 =	simm.s32 $0x12100;
	v3 =	vperm.xlane v3, v2  }
0x13e: {  	[tilespmem:s12], [sflag:$0x2] =	stream.indirect_vreg.gather [hbm4b:s1+s3], $0x80, v4, vm0, $0xb8;
	[tilespmem:$0x18100] =	vst v63  }
0x13f: {  	s13 =	simm.s32 $0x12900;
	v3 =	vadd.s32 v1, v3  }
0x140: {  	[tilespmem:s13], [sflag:$0x2] =	stream.indirect_vreg.gather [hbm4b:s5+s3], $0x80, v4, vm0, $0xb8;
	[tilespmem:$0x18100] =	vst v63  }
0x141: {  	s14 =	simm.s32 $0x13100  }
0x142: {  	[tilespmem:s14], [sflag:$0x2] =	stream.indirect_vreg.gather [hbm4b:s6+s3], $0x80, v4, vm0, $0xb8;
	[tilespmem:$0x18100] =	vst v63  }
0x143: {  	s12 =	simm.s32 $0x13900  }
0x144: {  	[tilespmem:s12], [sflag:$0x2] =	stream.indirect_vreg.gather [hbm4b:s1+s3], $0x80, v3, vm0, $0xb8;
	[tilespmem:$0x18100] =	vst v63  }
0x145: {  	s13 =	simm.s32 $0x14100  }
0x146: {  	[tilespmem:s13], [sflag:$0x2] =	stream.indirect_vreg.gather [hbm4b:s5+s3], $0x80, v3, vm0, $0xb8;
	[tilespmem:$0x18100] =	vst v63  }
0x147: {  	s14 =	simm.s32 $0x14900  }
0x148: {  	[tilespmem:s14], [sflag:$0x2] =	stream.indirect_vreg.gather [hbm4b:s6+s3], $0x80, v3, vm0, $0xb8;
	[tilespmem:$0x18100] =	vst v63  }
0x149: {  	v3 =	vld [tilespmem:$0xF0];
	_ =	sdelay $0x4  }
0x14a: {  	v63 =	vshrl.u32 v3, $0x3  }
0x14b: {  	v4 =	vmul.u32 $0x30, v63  }
0x14c: {  	v3 =	vand.u32 $0x7, v3  }
0x14d: {  	v3 =	vor.u32 v3, v4  }
0x14e: {  	v4 =	vperm.xlane v3, v0;
	_ =	sdelay $0x1  }
0x14f: {  	v4 =	vadd.s32 v1, v4;
	_ =	sdelay $0x3  }
0x150: {  	s12 =	simm.s32 $0x15100;
	v3 =	vperm.xlane v3, v2  }
0x151: {  	[tilespmem:s12], [sflag:$0x2] =	stream.indirect_vreg.gather [hbm4b:s1+s3], $0x80, v4, vm0, $0xb8;
	[tilespmem:$0x18100] =	vst v63  }
0x152: {  	s13 =	simm.s32 $0x15900;
	v3 =	vadd.s32 v1, v3  }
0x153: {  	[tilespmem:s13], [sflag:$0x2] =	stream.indirect_vreg.gather [hbm4b:s5+s3], $0x80, v4, vm0, $0xb8;
	[tilespmem:$0x18100] =	vst v63  }
0x154: {  	s14 =	simm.s32 $0x16100  }
0x155: {  	[tilespmem:s14], [sflag:$0x2] =	stream.indirect_vreg.gather [hbm4b:s6+s3], $0x80, v4, vm0, $0xb8;
	[tilespmem:$0x18100] =	vst v63  }
0x156: {  	s12 =	simm.s32 $0x16900  }
0x157: {  	[tilespmem:s12], [sflag:$0x2] =	stream.indirect_vreg.gather [hbm4b:s1+s3], $0x80, v3, vm0, $0xb8;
	[tilespmem:$0x18100] =	vst v63  }
0x158: {  	s13 =	simm.s32 $0x17100  }
0x159: {  	[tilespmem:s13], [sflag:$0x2] =	stream.indirect_vreg.gather [hbm4b:s5+s3], $0x80, v3, vm0, $0xb8;
	[tilespmem:$0x18100] =	vst v63  }
0x15a: {  	s14 =	simm.s32 $0x17900  }
0x15b: {  	[tilespmem:s14], [sflag:$0x2] =	stream.indirect_vreg.gather [hbm4b:s6+s3], $0x80, v3, vm0, $0xb8;
	[tilespmem:$0x18100] =	vst v63  }
0x15c: {  	_ =	swait.ge [sflag:s0], $0xC000  }
0x15d: {  	[sflag:s0] =	ssyncset.done $0x0  }
0x15e: {  	s13 =	simm.s32 $0x100;
	s7 =	rddreg [dreg:$0x6];
	[sflag:s0] =	ssyncadd.s32 $0xFFFF4000  }
0x15f: {  	[hbm4b:s7+s3] =	stream.linear.scatter [tilespmem:s13], [sflag:$0x3], $0xC000, $0x38;
	[tilespmem:$0x18100] =	vst v63  }
0x160: {  	_ =	swait.ge [sflag:s8], $0xC000  }
0x161: {  	[sflag:s8] =	ssyncset.done $0x0  }
0x162: {  	[sflag:s8] =	ssyncadd.s32 $0xFFFF4000  }
0x163: {  	_ =	swait.ge [sflag:s2], $0xC000  }
0x164: {  	p0 =	sne.s32 s4, $0x1;
	[sflag:s2] =	ssyncset.done $0x0  }
.Ltmp0:
0x165: {  	s14 =	rddreg [dreg:$0x7];
	[sflag:s2] =	ssyncadd.s32 $0xFFFF4000;
	(pc) =	sbr.rel @p0 .LBB2_1-.Ltmp0, $4  }
0x166: {  	[hbm4b:s14+s3] =	stream.linear.scatter [tilespmem:s11], [sflag:$0x3], $0xC000, $0x38;
	[tilespmem:$0x18100] =	vst v63  }
0x167: {  	_ =	swait.ge [sflag:s8], $0xC000  }
0x168: {  	[sflag:s8] =	ssyncset.done $0x0  }
0x169: {  	s4 =	sadd.s32 $0xFFFFFFFF, s4;
	[sflag:s8] =	ssyncadd.s32 $0xFFFF4000  }
0x16a: {  	_ =	sfence.sel $0x180000  }
0x16b: {  	[bflag:$0x0] =	sbarrier.arrive $0xFFFF  }
0x16c: {  	_ =	strace $0x90000047  }
0x16d: {  	s0 =	stileid.u32;
	[bflag:$0x2] =	sbarrier.arrive $0xFFFF  }
0x16e: {  	p0 =	sne.s32 s0, $0x0;
	s0 =	rddreg [dreg:$0x3]  }
0x16f: {  	s0 =	sadd.s32 @!p0 $0x100000, s0  }
0x170: {  	[sflag:s0] =	ssyncadd.tile.s32 @!p0 $0x1;
	_ =	shalt  }
.Lfunc_end2:
_tile_overlayer_lowered:
.L_overlay_start_2:
0x171: {  	(tag) =	ssettag $0x2  }
0x172: {  	s0 =	rddreg [dreg:$0x0];
	s2 =	stileid.u32  }
0x173: {  	s1 =	rddreg [dreg:$0x1];
	p0 =	sne.s32 s2, $0x0  }
0x174: {  	s3 =	rddreg [dreg:$0x2];
	[bflag:$0x3] =	sbarrier.arrive $0xFFFF;
	s2 =	simm.s32 @!p0 $0x1C03  }
0x175: {  	[timem:s3], [sflag:s2] =	dma.local @!p0 [hbm:s0], s1  }
0x176: {  	s0 =	simm.s32 @!p0 $0x3  }
0x177: {  	_ =	swait.ge @!p0 [sflag:s0], s1  }
0x178: {  	s1 =	ssub.s32 @!p0 $0x0, s1;
	[sflag:s0] =	ssyncset.done @!p0 $0x0  }
0x179: {  	[sflag:s0] =	ssyncadd.s32 @!p0 s1  }
0x17a: {  	[bflag:$0x3] =	sbarrier.arrive $0xFFFF  }
0x17b: {  	_ =	shalt  }

// kernel: kernel.9.cloned.1.call-start
scs
__scs_entry_jumppad:
0x0: {  	(pc) =	sbr.rel $0x88, $3  }
0x1: {  	(tag) =	ssettag $0x0;
	lr =	simm.s32 $0x1  }
0x2: {  	[smem:$0x3F9A] =	sst lr;
	_ =	strace $0xD0000000  }
0x3: {  	_ = 	snop  }
0x4: {  	_ = 	snop  }
0x5: {  	_ = 	snop  }
0x6: {  	_ = 	snop  }
0x7: {  	_ = 	snop  }
__scs_overlays_trampoline_lowered:
0x8: {  	[smem:$0x3FA9] =	sst s0  }
0x9: {  	[smem:$0x3FAA] =	sst s1  }
0xa: {  	[smem:$0x3FAB] =	sst s2  }
0xb: {  	[smem:$0x3FAC] =	sst s3  }
0xc: {  	[smem:$0x3FAD] =	sst s4  }
0xd: {  	[smem:$0x3FAE] =	sst s5  }
0xe: {  	[smem:$0x3FAF] =	sst s6  }
0xf: {  	[smem:$0x3FB0] =	sst s7  }
0x10: {  	[smem:$0x3FB1] =	sst s8  }
0x11: {  	[smem:$0x3FB2] =	sst s9;
	s0 =	simm.s32 @!p0 $0x0  }
0x12: {  	s1 =	sld [smem:$0x3F98];
	s0 =	simm.s32 @p0 $0x1  }
0x13: {  	[smem:$0x3FB3] =	sst s0;
	s0 =	simm.s32 @!p1 $0x0  }
0x14: {  	s2 =	sld [smem:$0x3F97];
	s0 =	simm.s32 @p1 $0x1  }
0x15: {  	[smem:$0x3FB4] =	sst s0;
	s0 =	simm.s32 @!p2 $0x0  }
0x16: {  	s3 =	sld [smem:$0x3FDB];
	s0 =	simm.s32 @p2 $0x1  }
0x17: {  	s4 =	simm.s32 $0x1BF5;
	[smem:$0x3FB6] =	sst s0  }
0x18: {  	s0 =	sld [smem:$0x3F99];
	_ =	swait.ge [sflag:s4], $0x0  }
0x19: {  	s7 =	sld [smem:$0x3F9A]  }
0x1a: {  	s8 =	sadd.s32 $0xFFFFE003, lr  }
0x1b: {  	s9 =	sadd.s32 $0xFFFFFEF7, lr;
	s5 =	simm.s32 $0xFFFFFFFF;
	p2 =	slt.u32 s8, $0xFFFFF086  }
0x1c: {  	p1 =	slt.u32 s9, $0xF7A;
	s5 =	simm.s32 @!p2 $0x0  }
0x1d: {  	s5 =	simm.s32 @p1 $0x1;
	p0 =	seq.s32 s7, s2  }
0x1e: {  	s7 =	smul.u32 @!p0 $0xF7A, s2;
	p2 =	seq.s32 @!p0 s5, $0x0  }
0x1f: {  	s9 =	smul.u32 $0xF7A, s1;
	s8 =	simm.s32 @!p0 $0x1BF5;
	p2 =	por !p2, p0  }
0x20: {  	[sflag:s8] =	ssyncset.s32 @!p0 $0xFFFFF086;
	s6 =	sadd.s32 @!p0 s3, s7;
	s7 =	simm.s32 @!p0 $0x108  }
0x21: {  	s3 =	sadd.s32 s3, s9;
	s6 =	sadd.s32 @!p0 $0x88, s6;
	s7 =	simm.s32 @p2 $0x1082  }
0x22: {  	[simem:s7], [sflag:s8] =	dma.local @!p0 [hbm:s6], $0xF7A  }
0x23: {  	s9 =	sor.u32 $0xD0000000, s2;
	s6 =	simm.s32 $0x108;
	_ =	swait.ge @!p0 [sflag:s8], $0x0  }
0x24: {  	s3 =	sadd.s32 $0x88, s3;
	s6 =	simm.s32 @!p1 $0x1082;
	[sflag:s4] =	ssyncset.s32 $0xFFFFF086  }
0x25: {  	[simem:s6], [sflag:s4] =	dma.local [hbm:s3], $0xF7A  }
0x26: {  	[smem:$0x3F9A] =	sst s1;
	(tag) =	ssettag s2;
	_ =	strace s9  }
0x27: {  	s1 =	sld [smem:$0x3FAA]  }
0x28: {  	s2 =	sld [smem:$0x3FAB]  }
0x29: {  	s4 =	sld [smem:$0x3FAD]  }
0x2a: {  	p0 =	seq.s32 s5, $0x0;
	s5 =	sld [smem:$0x3FAE]  }
0x2b: {  	s6 =	sld [smem:$0x3FAF]  }
0x2c: {  	s7 =	sld [smem:$0x3FB0]  }
0x2d: {  	s3 =	simm.s32 $0x108;
	s8 =	sld [smem:$0x3FB1]  }
0x2e: {  	s3 =	simm.s32 @!p0 $0x1082;
	s9 =	sld [smem:$0x3FB2]  }
0x2f: {  	lr =	sadd.s32 s0, s3;
	s0 =	sld [smem:$0x3FA9]  }
0x30: {  	s3 =	sld [smem:$0x3FAC]  }
0x31: {  	[smem:$0x3FB5] =	sst s10  }
0x32: {  	s10 =	sld [smem:$0x3FB3];
	_ =	sdelay $0x3  }
0x33: {  	p0 =	seq.s32 s10, $0x1;
	s10 =	sld [smem:$0x3FB5];
	_ =	sdelay $0x3  }
0x34: {  	[smem:$0x3FB5] =	sst s10  }
0x35: {  	s10 =	sld [smem:$0x3FB4];
	_ =	sdelay $0x3  }
0x36: {  	p1 =	seq.s32 s10, $0x1;
	s10 =	sld [smem:$0x3FB5];
	_ =	sdelay $0x3  }
0x37: {  	[smem:$0x3FB5] =	sst s10  }
0x38: {  	s10 =	sld [smem:$0x3FB6]  }
0x39: {  	_ = 	snop;
	(pc) =	sbr.ind lr, $3  }
0x3a: {  	_ = 	snop  }
0x3b: {  	_ = 	snop  }
0x3c: {  	p2 =	seq.s32 s10, $0x1;
	s10 =	sld [smem:$0x3FB5]  }
0x3d: {  	_ =	shalt  }
0x3e: {  	_ =	shalt  }
0x3f: {  	_ =	shalt  }
0x40: {  	_ =	shalt  }
0x41: {  	_ =	shalt  }
0x42: {  	_ =	shalt  }
0x43: {  	_ =	shalt  }
0x44: {  	_ =	shalt  }
0x45: {  	_ =	shalt  }
0x46: {  	_ =	shalt  }
0x47: {  	_ =	shalt  }
0x48: {  	_ =	shalt  }
0x49: {  	_ =	shalt  }
0x4a: {  	_ =	shalt  }
0x4b: {  	_ =	shalt  }
0x4c: {  	_ =	shalt  }
0x4d: {  	_ =	shalt  }
0x4e: {  	_ =	shalt  }
0x4f: {  	_ =	shalt  }
0x50: {  	_ =	shalt  }
0x51: {  	_ =	shalt  }
0x52: {  	_ =	shalt  }
0x53: {  	_ =	shalt  }
0x54: {  	_ =	shalt  }
0x55: {  	_ =	shalt  }
0x56: {  	_ =	shalt  }
0x57: {  	_ =	shalt  }
0x58: {  	_ =	shalt  }
0x59: {  	_ =	shalt  }
0x5a: {  	_ =	shalt  }
0x5b: {  	_ =	shalt  }
0x5c: {  	_ =	shalt  }
0x5d: {  	_ =	shalt  }
0x5e: {  	_ =	shalt  }
0x5f: {  	_ =	shalt  }
0x60: {  	_ =	shalt  }
0x61: {  	_ =	shalt  }
0x62: {  	_ =	shalt  }
0x63: {  	_ =	shalt  }
0x64: {  	_ =	shalt  }
0x65: {  	_ =	shalt  }
0x66: {  	_ =	shalt  }
0x67: {  	_ =	shalt  }
0x68: {  	_ =	shalt  }
0x69: {  	_ =	shalt  }
0x6a: {  	_ =	shalt  }
0x6b: {  	_ =	shalt  }
0x6c: {  	_ =	shalt  }
0x6d: {  	_ =	shalt  }
0x6e: {  	_ =	shalt  }
0x6f: {  	_ =	shalt  }
0x70: {  	_ =	shalt  }
0x71: {  	_ =	shalt  }
0x72: {  	_ =	shalt  }
0x73: {  	_ =	shalt  }
0x74: {  	_ =	shalt  }
0x75: {  	_ =	shalt  }
0x76: {  	_ =	shalt  }
0x77: {  	_ =	shalt  }
0x78: {  	_ =	shalt  }
0x79: {  	_ =	shalt  }
0x7a: {  	_ =	shalt  }
0x7b: {  	_ =	shalt  }
0x7c: {  	_ =	shalt  }
0x7d: {  	_ =	shalt  }
0x7e: {  	_ =	shalt  }
0x7f: {  	_ =	shalt  }
0x80: {  	_ =	shalt  }
0x81: {  	_ =	shalt  }
0x82: {  	_ =	shalt  }
0x83: {  	_ =	shalt  }
0x84: {  	_ =	shalt  }
0x85: {  	_ =	shalt  }
0x86: {  	_ =	shalt  }
0x87: {  	_ =	shalt  }
.Lfunc_end0:
.L_simem_size_0:
called_computation.1_lowered:
.L_overlay_start_0:
0x88: {  	s2 =	sld [smem:$0x3FD9]  }
0x89: {  	s3 =	sld [smem:$0x3FFE];
	_ =	sdelay $0x1  }
0x8a: {  	s1 =	srdreg.scid  }
0x8b: {  	s0 =	sand.u32 $0x1, s1  }
0x8c: {  	s17 =	sshll.u32 s0, $0xA;
	s2 =	sadd.s32 s3, s2  }
0x8d: {  	s2 =	sadd.s32 s2, s17  }
0x8e: {  	[smem:$0x3FC1] =	sst s2  }
0x8f: {  	_ = 	snop  }
0x90: {  	s18 =	sld [smem:$0x3FC9]  }
0x91: {  	s4 =	sld [smem:$0x3FC7];
	(tm) =	ssettm $0x1  }
0x92: {  	s19 =	sld [smem:$0x3FFB];
	_ =	sdelay $0x3  }
0x93: {  	_ =	strace s19  }
0x94: {  	s2 =	sld [smem:$0x3FFC];
	_ =	sdelay $0x3  }
0x95: {  	_ =	strace s2  }
0x96: {  	s2 =	sld [smem:$0x3FFD];
	_ =	sdelay $0x3  }
0x97: {  	_ =	strace s2  }
0x98: {  	_ =	strace $0x8FFFFFFF  }
0x99: {  	s20 =	sld [smem:$0x3FDB];
	_ =	sdelay $0x1  }
0x9a: {  	s5 =	simm.s32 $_scs_section_size  }
0x9b: {  	s6 =	simm.s32 $_size__tile_overlayer_lowered;
	s7 =	simm.s32 $_tile_overlayer_lowered  }
0x9c: {  	s8 =	simm.s32 $0x1BFF;
	s21 =	sshll.u32 s7, $0x1;
	s5 =	sadd.s32 s5, s20  }
0x9d: {  	s22 =	simm.s32 $0x0;
	s6 =	sshll.u32 s6, $0x1;
	s7 =	sadd.s32 s21, s5  }
0x9e: {  	[timem:s22], [sflag:s8] =	dma.local [hbm:s7], s6  }
0x9f: {  	_ =	swait.ge [sflag:s8], s6  }
0xa0: {  	s6 =	ssub.s32 $0x0, s6;
	[sflag:s8] =	ssyncset.done $0x0  }
0xa1: {  	[sflag:s8] =	ssyncadd.s32 s6;
	_ =	sdelay $0x1  }
0xa2: {  	s23 =	simm.s32 $0x1B8B  }
0xa3: {  	_ =	swait.ge [sflag:s23], $0x1  }
0xa4: {  	[sflag:s23] =	ssyncset.done $0x0  }
0xa5: {  	[sflag:s23] =	ssyncadd.s32 $0xFFFFFFFF  }
0xa6: {  	s6 =	sld [smem:$0x0]  }
0xa7: {  	s7 =	sand.u32 $0xFFFFFFFE, s1  }
0xa8: {  	p0 =	sne.s32 s1, s7  }
0xa9: {  	s7 =	sshll.u32 @p0 s7, $0xE  }
0xaa: {  	s7 =	sadd.s32 @p0 $0x11B8D, s7;
	s8 =	sshll.u32 @p0 s6, $0x11  }
0xab: {  	s7 =	sor.u32 @p0 s8, s7  }
0xac: {  	[sflag:s7] =	ssyncadd.remote.s32 @p0 $0x1;
	_ =	sdelay $0x1  }
0xad: {  	s7 =	simm.s32 @p0 $0x1B8D  }
0xae: {  	_ =	swait.eq @p0 [sflag:s7], $0x1  }
0xaf: {  	[sflag:s7] =	ssyncadd.s32 @p0 $0xFFFFFFFF  }
0xb0: {  	s8 =	sshll.u32 @!p0 s1, $0xE  }
0xb1: {  	s8 =	sor.u32 @!p0 $0x4000, s8;
	s7 =	simm.s32 @!p0 $0x1B8D  }
0xb2: {  	s6 =	sshll.u32 @!p0 s6, $0x11;
	s8 =	sadd.s32 @!p0 $0x11B8D, s8;
	_ =	swait.eq @!p0 [sflag:s7], $0x1  }
0xb3: {  	s6 =	sor.u32 @!p0 s6, s8;
	[sflag:s7] =	ssyncadd.s32 @!p0 $0xFFFFFFFF  }
0xb4: {  	s25 =	simm.s32 $0x1B8E;
	s24 =	sld [smem:$0x3FFE];
	[sflag:s6] =	ssyncadd.remote.s32 @!p0 $0x1  }
0xb5: {  	s26 =	simm.s32 $execute0_lowered;
	[smem:$0x3FD2] =	sst s25  }
0xb6: {  	s7 =	sshll.u32 s26, $0x1;
	_ =	strace $0x80000049;
	[dreg:$0x1] =	wrdreg $0xFFFFFFFF  }
0xb7: {  	s28 =	simm.s32 $_size_execute0_lowered;
	s5 =	sadd.s32 s5, s7;
	[dreg:$0x0] =	wrdreg $0x0  }
0xb8: {  	s7 =	sshll.u32 s28, $0x1;
	[dreg:$0x2] =	wrdreg s5  }
0xb9: {  	[dreg:$0x3] =	wrdreg s7  }
0xba: {  	[dreg:$0x4] =	wrdreg $0xC0  }
0xbb: {  	_ =	task [dreg:s22], $0x5FFFF  }
0xbc: {  	[dreg:$0x1] =	wrdreg $0xFFFFFFFF  }
0xbd: {  	[dreg:$0x0] =	wrdreg $0x60  }
0xbe: {  	[dreg:$0x2] =	wrdreg s4  }
0xbf: {  	[dreg:$0x3] =	wrdreg s18  }
0xc0: {  	[dreg:$0x4] =	wrdreg s24  }
0xc1: {  	[dreg:$0x5] =	wrdreg $0xA  }
0xc2: {  	_ =	task.clear_ibuf [dreg:s22], $0x6FFFF;
	_ =	strace $0x90000049  }
0xc3: {  	s29 =	simm.s32 $0xA;
	_ =	strace $0x8000004B  }
0xc4: {  	_ =	swait.ge [sflag:s29], $0x1  }
0xc5: {  	[sflag:s29] =	ssyncadd.s32 $0xFFFFFFFF  }
0xc6: {  	_ =	strace $0x9000004B  }
0xc7: {  	_ =	sfence  }
0xc8: {  	s30 =	sld [smem:$0x0];
	_ =	sdelay $0x2  }
0xc9: {  	s31 =	sshll.u32 s1, $0xD;
	s1 =	sshrl.u32 s1, $0x2  }
0xca: {  	s4 =	sand.u32 $0x4000, s31;
	s1 =	sadd.s32 s1, s30  }
0xcb: {  	s0 =	sor.u32 s4, s0;
	s1 =	sshll.u32 s1, $0x11  }
0xcc: {  	s0 =	sor.u32 s1, s0  }
0xcd: {  	s0 =	sadd.s32 $0x8F2B, s0  }
0xce: {  	[sflag:s0] =	ssyncadd.remote.s32 $0x1  }
0xcf: {  	_ =	sfence.sel $0xFFFF  }
0xd0: {  	[dreg:$0x0] =	wrdreg $0xFFFFFFFF;
	(pc) =	sbr.abs _section_cstart, $3  }
0xd1: {  	[dreg:$0x1] =	wrdreg $0xFFFFFFFF  }
0xd2: {  	_ =	task.clear_ibuf [dreg:s22], $0x2FFFF;
	_ =	strace $0x9FFFFFFF  }
0xd3: {  	(tm) =	ssettm $0x7FFFFFFF  }
tec
execute0_lowered:
.L_overlay_start_1:
0x0: {  	(tag) =	ssettag $0x1  }
0x1: {  	s1 =	rddreg [dreg:$0x0];
	s0 =	srdreg.scid  }
0x2: {  	s7 =	stileid.u32;
	s2 =	rddreg [dreg:$0x1]  }
0x3: {  	s4 =	rddreg [dreg:$0x2];
	s25 =	simm.s32 $0x80;
	s26 =	simm.s32 $0x200  }
0x4: {  	s8 =	simm.s32 $0x3;
	s15 =	simm.s32 $0x1900;
	s16 =	simm.s32 $0x2100  }
0x5: {  	s17 =	simm.s32 $0x2900;
	s18 =	simm.s32 $0x3100;
	s28 =	simm.s32 $0x7900  }
0x6: {  	s29 =	simm.s32 $0x8100;
	s30 =	simm.s32 $0x8900;
	s31 =	simm.s32 $0x9100  }
0x7: {  	s9 =	simm.s32 $0xA900;
	s10 =	simm.s32 $0xB900;
	s11 =	simm.s32 $0xC100  }
0x8: {  	s0 =	sand.u32 $0x1, s0;
	s3 =	sshll.u32 s7, $0x1;
	s7 =	sshll.u32 s7, $0x2  }
0x9: {  	s4 =	sadd.s32 $0xC1200, s4;
	s5 =	sor.u32 s0, s3;
	s3 =	simm.s32 $0x0  }
0xa: {  	s0 =	ssub.s32 $0x2, s0;
	s6 =	sshll.u32 s5, $0x7;
	s19 =	smul.u32 $0x6000, s5  }
0xb: {  	[smem:$0x7FF] =	sst s3;
	s5 =	smul.u32 $0x30000, s5;
	s23 =	sshrl.u32 s0, $0x1  }
0xc: {  	s6 =	sor.u32 s6, s7;
	_ =	strace $0x8000004A;
	[dreg:$0x8] =	wrdreg s25  }
0xd: {  	s0 =	ssub.s32 s0, s23;
	[dreg:$0x9] =	wrdreg s26;
	s23 =	simm.s32 $0x5900  }
0xe: {  	s25 =	simm.s32 $0x6900;
	s26 =	simm.s32 $0x7100;
	s6 =	sand.u32 $0x3B0, s6  }
0xf: {  	s20 =	sadd.s32 s4, s19;
	s5 =	sshrl.u32 s5, $0x3;
	s19 =	simm.s32 $0x3900  }
0x10: {  	s2 =	sadd.s32 s6, s2;
	[dreg:$0xa] =	wrdreg s20;
	s21 =	sadd.s32 $0x1800, s20  }
0x11: {  	s4 =	sadd.s32 s4, s5;
	s5 =	sadd.s32 $0x100, s1;
	s6 =	sadd.s32 $0x200, s1  }
0x12: {  	s20 =	simm.s32 $0x4100;
	s2 =	sadd.s32 $0x400, s2;
	[dreg:$0x5] =	wrdreg s21  }
0x13: {  	v2 =	vlaneseq.u32;
	s22 =	sadd.s32 $0x3000, s4;
	s24 =	sadd.s32 $0x4800, s4;
	[dreg:$0x4] =	wrdreg s2  }
0x14: {  	vm0 =	vmmov $0xffff;
	v1 =	vshrl.u32 v2, $0x3;
	s4 =	smax.u32 s0, $0x1;
	s21 =	simm.s32 $0x4900;
	[dreg:$0x6] =	wrdreg s22  }
0x15: {  	v0 =	vand.u32 $0x7, v2;
	v2 =	vor.u32 $0x8, v2;
	v1 =	vmul.u32 $0x8, v1;
	[dreg:$0x7] =	wrdreg s24;
	s22 =	simm.s32 $0x5100;
	s24 =	simm.s32 $0x6100  }
.LBB2_1:
0x16: {  	s12 =	rddreg [dreg:$0x4]  }
0x17: {  	s13 =	rddreg [dreg:$0x8]  }
0x18: {  	s14 =	rddreg [dreg:$0x9]  }
0x19: {  	[tilespmem:s3], [sflag:$0x3] =	stream.strided.gather [hbm4b:s12+s13], $0x100, s14, s13, $0x38;
	[tilespmem:$0x18100] =	vst v63  }
0x1a: {  	_ =	swait.ge [sflag:s8], $0x100  }
0x1b: {  	[sflag:s8] =	ssyncset.done $0x0  }
0x1c: {  	[sflag:s8] =	ssyncadd.s32 $0xFFFFFF00  }
0x1d: {  	v3 =	vld [tilespmem:$0x0];
	_ =	sdelay $0x4  }
0x1e: {  	v4 =	vshrl.u32 v3, $0x3  }
0x1f: {  	v4 =	vmul.u32 $0x30, v4  }
0x20: {  	v3 =	vand.u32 $0x7, v3  }
0x21: {  	v3 =	vor.u32 v3, v4  }
0x22: {  	v4 =	vperm.xlane v3, v0;
	_ =	sdelay $0x1  }
0x23: {  	v4 =	vadd.s32 v1, v4;
	_ =	sdelay $0x3  }
0x24: {  	s0 =	simm.s32 $0x100;
	v3 =	vperm.xlane v3, v2  }
0x25: {  	[tilespmem:s0], [sflag:$0x1] =	stream.indirect_vreg.gather [hbm4b:s1+s3], $0x80, v4, vm0, $0xb8;
	[tilespmem:$0x18100] =	vst v63  }
0x26: {  	s13 =	simm.s32 $0x900;
	v3 =	vadd.s32 v1, v3  }
0x27: {  	[tilespmem:s13], [sflag:$0x1] =	stream.indirect_vreg.gather [hbm4b:s5+s3], $0x80, v4, vm0, $0xb8;
	[tilespmem:$0x18100] =	vst v63  }
0x28: {  	s14 =	simm.s32 $0x1100  }
0x29: {  	[tilespmem:s14], [sflag:$0x1] =	stream.indirect_vreg.gather [hbm4b:s6+s3], $0x80, v4, vm0, $0xb8;
	[tilespmem:$0x18100] =	vst v63  }
0x2a: {  	_ = 	snop  }
0x2b: {  	[tilespmem:s15], [sflag:$0x1] =	stream.indirect_vreg.gather [hbm4b:s1+s3], $0x80, v3, vm0, $0xb8;
	[tilespmem:$0x18100] =	vst v63  }
0x2c: {  	_ = 	snop  }
0x2d: {  	[tilespmem:s16], [sflag:$0x1] =	stream.indirect_vreg.gather [hbm4b:s5+s3], $0x80, v3, vm0, $0xb8;
	[tilespmem:$0x18100] =	vst v63  }
0x2e: {  	_ = 	snop  }
0x2f: {  	[tilespmem:s17], [sflag:$0x1] =	stream.indirect_vreg.gather [hbm4b:s6+s3], $0x80, v3, vm0, $0xb8;
	[tilespmem:$0x18100] =	vst v63  }
0x30: {  	v3 =	vld [tilespmem:$0x10];
	_ =	sdelay $0x4  }
0x31: {  	v49 =	vshrl.u32 v3, $0x3  }
0x32: {  	v4 =	vmul.u32 $0x30, v49  }
0x33: {  	v3 =	vand.u32 $0x7, v3  }
0x34: {  	v3 =	vor.u32 v3, v4  }
0x35: {  	v4 =	vperm.xlane v3, v0;
	_ =	sdelay $0x1  }
0x36: {  	v4 =	vadd.s32 v1, v4;
	_ =	sdelay $0x3  }
0x37: {  	v3 =	vperm.xlane v3, v2  }
0x38: {  	[tilespmem:s18], [sflag:$0x1] =	stream.indirect_vreg.gather [hbm4b:s1+s3], $0x80, v4, vm0, $0xb8;
	[tilespmem:$0x18100] =	vst v63  }
0x39: {  	v3 =	vadd.s32 v1, v3  }
0x3a: {  	[tilespmem:s19], [sflag:$0x1] =	stream.indirect_vreg.gather [hbm4b:s5+s3], $0x80, v4, vm0, $0xb8;
	[tilespmem:$0x18100] =	vst v63  }
0x3b: {  	_ = 	snop  }
0x3c: {  	[tilespmem:s20], [sflag:$0x1] =	stream.indirect_vreg.gather [hbm4b:s6+s3], $0x80, v4, vm0, $0xb8;
	[tilespmem:$0x18100] =	vst v63  }
0x3d: {  	_ = 	snop  }
0x3e: {  	[tilespmem:s21], [sflag:$0x1] =	stream.indirect_vreg.gather [hbm4b:s1+s3], $0x80, v3, vm0, $0xb8;
	[tilespmem:$0x18100] =	vst v63  }
0x3f: {  	_ = 	snop  }
0x40: {  	[tilespmem:s22], [sflag:$0x1] =	stream.indirect_vreg.gather [hbm4b:s5+s3], $0x80, v3, vm0, $0xb8;
	[tilespmem:$0x18100] =	vst v63  }
0x41: {  	_ = 	snop  }
0x42: {  	[tilespmem:s23], [sflag:$0x1] =	stream.indirect_vreg.gather [hbm4b:s6+s3], $0x80, v3, vm0, $0xb8;
	[tilespmem:$0x18100] =	vst v63  }
0x43: {  	v3 =	vld [tilespmem:$0x20];
	_ =	sdelay $0x4  }
0x44: {  	v50 =	vshrl.u32 v3, $0x3  }
0x45: {  	v4 =	vmul.u32 $0x30, v50  }
0x46: {  	v3 =	vand.u32 $0x7, v3  }
0x47: {  	v3 =	vor.u32 v3, v4  }
0x48: {  	v4 =	vperm.xlane v3, v0;
	_ =	sdelay $0x1  }
0x49: {  	v4 =	vadd.s32 v1, v4;
	_ =	sdelay $0x3  }
0x4a: {  	v3 =	vperm.xlane v3, v2  }
0x4b: {  	[tilespmem:s24], [sflag:$0x1] =	stream.indirect_vreg.gather [hbm4b:s1+s3], $0x80, v4, vm0, $0xb8;
	[tilespmem:$0x18100] =	vst v63  }
0x4c: {  	v3 =	vadd.s32 v1, v3  }
0x4d: {  	[tilespmem:s25], [sflag:$0x1] =	stream.indirect_vreg.gather [hbm4b:s5+s3], $0x80, v4, vm0, $0xb8;
	[tilespmem:$0x18100] =	vst v63  }
0x4e: {  	_ = 	snop  }
0x4f: {  	[tilespmem:s26], [sflag:$0x1] =	stream.indirect_vreg.gather [hbm4b:s6+s3], $0x80, v4, vm0, $0xb8;
	[tilespmem:$0x18100] =	vst v63  }
0x50: {  	_ = 	snop  }
0x51: {  	[tilespmem:s28], [sflag:$0x1] =	stream.indirect_vreg.gather [hbm4b:s1+s3], $0x80, v3, vm0, $0xb8;
	[tilespmem:$0x18100] =	vst v63  }
0x52: {  	_ = 	snop  }
0x53: {  	[tilespmem:s29], [sflag:$0x1] =	stream.indirect_vreg.gather [hbm4b:s5+s3], $0x80, v3, vm0, $0xb8;
	[tilespmem:$0x18100] =	vst v63  }
0x54: {  	_ = 	snop  }
0x55: {  	[tilespmem:s30], [sflag:$0x1] =	stream.indirect_vreg.gather [hbm4b:s6+s3], $0x80, v3, vm0, $0xb8;
	[tilespmem:$0x18100] =	vst v63  }
0x56: {  	v3 =	vld [tilespmem:$0x30];
	_ =	sdelay $0x4  }
0x57: {  	v51 =	vshrl.u32 v3, $0x3  }
0x58: {  	v4 =	vmul.u32 $0x30, v51  }
0x59: {  	v3 =	vand.u32 $0x7, v3  }
0x5a: {  	v3 =	vor.u32 v3, v4  }
0x5b: {  	v4 =	vperm.xlane v3, v0;
	_ =	sdelay $0x1  }
0x5c: {  	v4 =	vadd.s32 v1, v4;
	_ =	sdelay $0x3  }
0x5d: {  	v3 =	vperm.xlane v3, v2  }
0x5e: {  	[tilespmem:s31], [sflag:$0x1] =	stream.indirect_vreg.gather [hbm4b:s1+s3], $0x80, v4, vm0, $0xb8;
	[tilespmem:$0x18100] =	vst v63  }
0x5f: {  	s2 =	simm.s32 $0x9900;
	v3 =	vadd.s32 v1, v3  }
0x60: {  	[tilespmem:s2], [sflag:$0x1] =	stream.indirect_vreg.gather [hbm4b:s5+s3], $0x80, v4, vm0, $0xb8;
	[tilespmem:$0x18100] =	vst v63  }
0x61: {  	s12 =	simm.s32 $0xA100  }
0x62: {  	[tilespmem:s12], [sflag:$0x1] =	stream.indirect_vreg.gather [hbm4b:s6+s3], $0x80, v4, vm0, $0xb8;
	[tilespmem:$0x18100] =	vst v63  }
0x63: {  	_ = 	snop  }
0x64: {  	[tilespmem:s9], [sflag:$0x1] =	stream.indirect_vreg.gather [hbm4b:s1+s3], $0x80, v3, vm0, $0xb8;
	[tilespmem:$0x18100] =	vst v63  }
0x65: {  	s7 =	simm.s32 $0xB100  }
0x66: {  	[tilespmem:s7], [sflag:$0x1] =	stream.indirect_vreg.gather [hbm4b:s5+s3], $0x80, v3, vm0, $0xb8;
	[tilespmem:$0x18100] =	vst v63  }
0x67: {  	_ = 	snop  }
0x68: {  	[tilespmem:s10], [sflag:$0x1] =	stream.indirect_vreg.gather [hbm4b:s6+s3], $0x80, v3, vm0, $0xb8;
	[tilespmem:$0x18100] =	vst v63  }
0x69: {  	v3 =	vld [tilespmem:$0x40];
	_ =	sdelay $0x4  }
0x6a: {  	v52 =	vshrl.u32 v3, $0x3  }
0x6b: {  	v4 =	vmul.u32 $0x30, v52  }
0x6c: {  	v3 =	vand.u32 $0x7, v3  }
0x6d: {  	v3 =	vor.u32 v3, v4  }
0x6e: {  	v4 =	vperm.xlane v3, v0;
	_ =	sdelay $0x1  }
0x6f: {  	v4 =	vadd.s32 v1, v4;
	_ =	sdelay $0x3  }
0x70: {  	v3 =	vperm.xlane v3, v2  }
0x71: {  	[tilespmem:s11], [sflag:$0x2] =	stream.indirect_vreg.gather [hbm4b:s1+s3], $0x80, v4, vm0, $0xb8;
	[tilespmem:$0x18100] =	vst v63  }
0x72: {  	s12 =	simm.s32 $0xC900;
	v3 =	vadd.s32 v1, v3  }
0x73: {  	[tilespmem:s12], [sflag:$0x2] =	stream.indirect_vreg.gather [hbm4b:s5+s3], $0x80, v4, vm0, $0xb8;
	[tilespmem:$0x18100] =	vst v63  }
0x74: {  	s7 =	simm.s32 $0xD100  }
0x75: {  	[tilespmem:s7], [sflag:$0x2] =	stream.indirect_vreg.gather [hbm4b:s6+s3], $0x80, v4, vm0, $0xb8;
	[tilespmem:$0x18100] =	vst v63  }
0x76: {  	s12 =	simm.s32 $0xD900  }
0x77: {  	[tilespmem:s12], [sflag:$0x2] =	stream.indirect_vreg.gather [hbm4b:s1+s3], $0x80, v3, vm0, $0xb8;
	[tilespmem:$0x18100] =	vst v63  }
0x78: {  	s7 =	simm.s32 $0xE100  }
0x79: {  	[tilespmem:s7], [sflag:$0x2] =	stream.indirect_vreg.gather [hbm4b:s5+s3], $0x80, v3, vm0, $0xb8;
	[tilespmem:$0x18100] =	vst v63  }
0x7a: {  	s12 =	simm.s32 $0xE900  }
0x7b: {  	[tilespmem:s12], [sflag:$0x2] =	stream.indirect_vreg.gather [hbm4b:s6+s3], $0x80, v3, vm0, $0xb8;
	[tilespmem:$0x18100] =	vst v63  }
0x7c: {  	v3 =	vld [tilespmem:$0x50];
	_ =	sdelay $0x4  }
0x7d: {  	v53 =	vshrl.u32 v3, $0x3  }
0x7e: {  	v4 =	vmul.u32 $0x30, v53  }
0x7f: {  	v3 =	vand.u32 $0x7, v3  }
0x80: {  	v3 =	vor.u32 v3, v4  }
0x81: {  	v4 =	vperm.xlane v3, v0;
	_ =	sdelay $0x1  }
0x82: {  	v4 =	vadd.s32 v1, v4;
	_ =	sdelay $0x3  }
0x83: {  	s7 =	simm.s32 $0xF100;
	v3 =	vperm.xlane v3, v2  }
0x84: {  	[tilespmem:s7], [sflag:$0x2] =	stream.indirect_vreg.gather [hbm4b:s1+s3], $0x80, v4, vm0, $0xb8;
	[tilespmem:$0x18100] =	vst v63  }
0x85: {  	s12 =	simm.s32 $0xF900;
	v3 =	vadd.s32 v1, v3  }
0x86: {  	[tilespmem:s12], [sflag:$0x2] =	stream.indirect_vreg.gather [hbm4b:s5+s3], $0x80, v4, vm0, $0xb8;
	[tilespmem:$0x18100] =	vst v63  }
0x87: {  	s7 =	simm.s32 $0x10100  }
0x88: {  	[tilespmem:s7], [sflag:$0x2] =	stream.indirect_vreg.gather [hbm4b:s6+s3], $0x80, v4, vm0, $0xb8;
	[tilespmem:$0x18100] =	vst v63  }
0x89: {  	s12 =	simm.s32 $0x10900  }
0x8a: {  	[tilespmem:s12], [sflag:$0x2] =	stream.indirect_vreg.gather [hbm4b:s1+s3], $0x80, v3, vm0, $0xb8;
	[tilespmem:$0x18100] =	vst v63  }
0x8b: {  	s7 =	simm.s32 $0x11100  }
0x8c: {  	[tilespmem:s7], [sflag:$0x2] =	stream.indirect_vreg.gather [hbm4b:s5+s3], $0x80, v3, vm0, $0xb8;
	[tilespmem:$0x18100] =	vst v63  }
0x8d: {  	s12 =	simm.s32 $0x11900  }
0x8e: {  	[tilespmem:s12], [sflag:$0x2] =	stream.indirect_vreg.gather [hbm4b:s6+s3], $0x80, v3, vm0, $0xb8;
	[tilespmem:$0x18100] =	vst v63  }
0x8f: {  	v3 =	vld [tilespmem:$0x60];
	_ =	sdelay $0x4  }
0x90: {  	v54 =	vshrl.u32 v3, $0x3  }
0x91: {  	v4 =	vmul.u32 $0x30, v54  }
0x92: {  	v3 =	vand.u32 $0x7, v3  }
0x93: {  	v3 =	vor.u32 v3, v4  }
0x94: {  	v4 =	vperm.xlane v3, v0;
	_ =	sdelay $0x1  }
0x95: {  	v4 =	vadd.s32 v1, v4;
	_ =	sdelay $0x3  }
0x96: {  	s7 =	simm.s32 $0x12100;
	v3 =	vperm.xlane v3, v2  }
0x97: {  	[tilespmem:s7], [sflag:$0x2] =	stream.indirect_vreg.gather [hbm4b:s1+s3], $0x80, v4, vm0, $0xb8;
	[tilespmem:$0x18100] =	vst v63  }
0x98: {  	s12 =	simm.s32 $0x12900;
	v3 =	vadd.s32 v1, v3  }
0x99: {  	[tilespmem:s12], [sflag:$0x2] =	stream.indirect_vreg.gather [hbm4b:s5+s3], $0x80, v4, vm0, $0xb8;
	[tilespmem:$0x18100] =	vst v63  }
0x9a: {  	s7 =	simm.s32 $0x13100  }
0x9b: {  	[tilespmem:s7], [sflag:$0x2] =	stream.indirect_vreg.gather [hbm4b:s6+s3], $0x80, v4, vm0, $0xb8;
	[tilespmem:$0x18100] =	vst v63  }
0x9c: {  	s12 =	simm.s32 $0x13900  }
0x9d: {  	[tilespmem:s12], [sflag:$0x2] =	stream.indirect_vreg.gather [hbm4b:s1+s3], $0x80, v3, vm0, $0xb8;
	[tilespmem:$0x18100] =	vst v63  }
0x9e: {  	s7 =	simm.s32 $0x14100  }
0x9f: {  	[tilespmem:s7], [sflag:$0x2] =	stream.indirect_vreg.gather [hbm4b:s5+s3], $0x80, v3, vm0, $0xb8;
	[tilespmem:$0x18100] =	vst v63  }
0xa0: {  	s12 =	simm.s32 $0x14900  }
0xa1: {  	[tilespmem:s12], [sflag:$0x2] =	stream.indirect_vreg.gather [hbm4b:s6+s3], $0x80, v3, vm0, $0xb8;
	[tilespmem:$0x18100] =	vst v63  }
0xa2: {  	v3 =	vld [tilespmem:$0x70];
	_ =	sdelay $0x4  }
0xa3: {  	v55 =	vshrl.u32 v3, $0x3  }
0xa4: {  	v4 =	vmul.u32 $0x30, v55  }
0xa5: {  	v3 =	vand.u32 $0x7, v3  }
0xa6: {  	v3 =	vor.u32 v3, v4  }
0xa7: {  	v4 =	vperm.xlane v3, v0;
	_ =	sdelay $0x1  }
0xa8: {  	v4 =	vadd.s32 v1, v4;
	_ =	sdelay $0x3  }
0xa9: {  	s7 =	simm.s32 $0x15100;
	v3 =	vperm.xlane v3, v2  }
0xaa: {  	[tilespmem:s7], [sflag:$0x2] =	stream.indirect_vreg.gather [hbm4b:s1+s3], $0x80, v4, vm0, $0xb8;
	[tilespmem:$0x18100] =	vst v63  }
0xab: {  	s12 =	simm.s32 $0x15900;
	v3 =	vadd.s32 v1, v3  }
0xac: {  	[tilespmem:s12], [sflag:$0x2] =	stream.indirect_vreg.gather [hbm4b:s5+s3], $0x80, v4, vm0, $0xb8;
	[tilespmem:$0x18100] =	vst v63  }
0xad: {  	s7 =	simm.s32 $0x16100  }
0xae: {  	[tilespmem:s7], [sflag:$0x2] =	stream.indirect_vreg.gather [hbm4b:s6+s3], $0x80, v4, vm0, $0xb8;
	[tilespmem:$0x18100] =	vst v63  }
0xaf: {  	s12 =	simm.s32 $0x16900  }
0xb0: {  	[tilespmem:s12], [sflag:$0x2] =	stream.indirect_vreg.gather [hbm4b:s1+s3], $0x80, v3, vm0, $0xb8;
	[tilespmem:$0x18100] =	vst v63  }
0xb1: {  	s7 =	simm.s32 $0x17100  }
0xb2: {  	[tilespmem:s7], [sflag:$0x2] =	stream.indirect_vreg.gather [hbm4b:s5+s3], $0x80, v3, vm0, $0xb8;
	[tilespmem:$0x18100] =	vst v63  }
0xb3: {  	s0 =	simm.s32 $0x1;
	s12 =	simm.s32 $0x17900  }
0xb4: {  	[tilespmem:s12], [sflag:$0x2] =	stream.indirect_vreg.gather [hbm4b:s6+s3], $0x80, v3, vm0, $0xb8;
	[tilespmem:$0x18100] =	vst v63  }
0xb5: {  	_ =	swait.ge [sflag:s0], $0xC000  }
0xb6: {  	[sflag:s0] =	ssyncset.done $0x0  }
0xb7: {  	s7 =	simm.s32 $0x100;
	s12 =	rddreg [dreg:$0xa];
	[sflag:s0] =	ssyncadd.s32 $0xFFFF4000  }
0xb8: {  	[hbm4b:s12+s3] =	stream.linear.scatter [tilespmem:s7], [sflag:$0x3], $0xC000, $0x38;
	[tilespmem:$0x18100] =	vst v63  }
0xb9: {  	_ =	swait.ge [sflag:s8], $0xC000  }
0xba: {  	[sflag:s8] =	ssyncset.done $0x0  }
0xbb: {  	[sflag:s8] =	ssyncadd.s32 $0xFFFF4000  }
0xbc: {  	v3 =	vld [tilespmem:$0x80];
	_ =	sdelay $0x4  }
0xbd: {  	v56 =	vshrl.u32 v3, $0x3  }
0xbe: {  	v4 =	vmul.u32 $0x30, v56  }
0xbf: {  	v3 =	vand.u32 $0x7, v3  }
0xc0: {  	v3 =	vor.u32 v3, v4  }
0xc1: {  	v4 =	vperm.xlane v3, v0;
	_ =	sdelay $0x1  }
0xc2: {  	v4 =	vadd.s32 v1, v4;
	_ =	sdelay $0x3  }
0xc3: {  	v3 =	vperm.xlane v3, v2  }
0xc4: {  	[tilespmem:s7], [sflag:$0x1] =	stream.indirect_vreg.gather [hbm4b:s1+s3], $0x80, v4, vm0, $0xb8;
	[tilespmem:$0x18100] =	vst v63  }
0xc5: {  	v3 =	vadd.s32 v1, v3  }
0xc6: {  	[tilespmem:s13], [sflag:$0x1] =	stream.indirect_vreg.gather [hbm4b:s5+s3], $0x80, v4, vm0, $0xb8;
	[tilespmem:$0x18100] =	vst v63  }
0xc7: {  	_ = 	snop  }
0xc8: {  	[tilespmem:s14], [sflag:$0x1] =	stream.indirect_vreg.gather [hbm4b:s6+s3], $0x80, v4, vm0, $0xb8;
	[tilespmem:$0x18100] =	vst v63  }
0xc9: {  	_ = 	snop  }
0xca: {  	[tilespmem:s15], [sflag:$0x1] =	stream.indirect_vreg.gather [hbm4b:s1+s3], $0x80, v3, vm0, $0xb8;
	[tilespmem:$0x18100] =	vst v63  }
0xcb: {  	_ = 	snop  }
0xcc: {  	[tilespmem:s16], [sflag:$0x1] =	stream.indirect_vreg.gather [hbm4b:s5+s3], $0x80, v3, vm0, $0xb8;
	[tilespmem:$0x18100] =	vst v63  }
0xcd: {  	_ = 	snop  }
0xce: {  	[tilespmem:s17], [sflag:$0x1] =	stream.indirect_vreg.gather [hbm4b:s6+s3], $0x80, v3, vm0, $0xb8;
	[tilespmem:$0x18100] =	vst v63  }
0xcf: {  	v3 =	vld [tilespmem:$0x90];
	_ =	sdelay $0x4  }
0xd0: {  	v57 =	vshrl.u32 v3, $0x3  }
0xd1: {  	v4 =	vmul.u32 $0x30, v57  }
0xd2: {  	v3 =	vand.u32 $0x7, v3  }
0xd3: {  	v3 =	vor.u32 v3, v4  }
0xd4: {  	v4 =	vperm.xlane v3, v0;
	_ =	sdelay $0x1  }
0xd5: {  	v4 =	vadd.s32 v1, v4;
	_ =	sdelay $0x3  }
0xd6: {  	v3 =	vperm.xlane v3, v2  }
0xd7: {  	[tilespmem:s18], [sflag:$0x1] =	stream.indirect_vreg.gather [hbm4b:s1+s3], $0x80, v4, vm0, $0xb8;
	[tilespmem:$0x18100] =	vst v63  }
0xd8: {  	v3 =	vadd.s32 v1, v3  }
0xd9: {  	[tilespmem:s19], [sflag:$0x1] =	stream.indirect_vreg.gather [hbm4b:s5+s3], $0x80, v4, vm0, $0xb8;
	[tilespmem:$0x18100] =	vst v63  }
0xda: {  	_ = 	snop  }
0xdb: {  	[tilespmem:s20], [sflag:$0x1] =	stream.indirect_vreg.gather [hbm4b:s6+s3], $0x80, v4, vm0, $0xb8;
	[tilespmem:$0x18100] =	vst v63  }
0xdc: {  	_ = 	snop  }
0xdd: {  	[tilespmem:s21], [sflag:$0x1] =	stream.indirect_vreg.gather [hbm4b:s1+s3], $0x80, v3, vm0, $0xb8;
	[tilespmem:$0x18100] =	vst v63  }
0xde: {  	_ = 	snop  }
0xdf: {  	[tilespmem:s22], [sflag:$0x1] =	stream.indirect_vreg.gather [hbm4b:s5+s3], $0x80, v3, vm0, $0xb8;
	[tilespmem:$0x18100] =	vst v63  }
0xe0: {  	_ = 	snop  }
0xe1: {  	[tilespmem:s23], [sflag:$0x1] =	stream.indirect_vreg.gather [hbm4b:s6+s3], $0x80, v3, vm0, $0xb8;
	[tilespmem:$0x18100] =	vst v63  }
0xe2: {  	v3 =	vld [tilespmem:$0xA0];
	_ =	sdelay $0x4  }
0xe3: {  	v58 =	vshrl.u32 v3, $0x3  }
0xe4: {  	v4 =	vmul.u32 $0x30, v58  }
0xe5: {  	v3 =	vand.u32 $0x7, v3  }
0xe6: {  	v3 =	vor.u32 v3, v4  }
0xe7: {  	v4 =	vperm.xlane v3, v0;
	_ =	sdelay $0x1  }
0xe8: {  	v4 =	vadd.s32 v1, v4;
	_ =	sdelay $0x3  }
0xe9: {  	v3 =	vperm.xlane v3, v2  }
0xea: {  	[tilespmem:s24], [sflag:$0x1] =	stream.indirect_vreg.gather [hbm4b:s1+s3], $0x80, v4, vm0, $0xb8;
	[tilespmem:$0x18100] =	vst v63  }
0xeb: {  	v3 =	vadd.s32 v1, v3  }
0xec: {  	[tilespmem:s25], [sflag:$0x1] =	stream.indirect_vreg.gather [hbm4b:s5+s3], $0x80, v4, vm0, $0xb8;
	[tilespmem:$0x18100] =	vst v63  }
0xed: {  	_ = 	snop  }
0xee: {  	[tilespmem:s26], [sflag:$0x1] =	stream.indirect_vreg.gather [hbm4b:s6+s3], $0x80, v4, vm0, $0xb8;
	[tilespmem:$0x18100] =	vst v63  }
0xef: {  	_ = 	snop  }
0xf0: {  	[tilespmem:s28], [sflag:$0x1] =	stream.indirect_vreg.gather [hbm4b:s1+s3], $0x80, v3, vm0, $0xb8;
	[tilespmem:$0x18100] =	vst v63  }
0xf1: {  	_ = 	snop  }
0xf2: {  	[tilespmem:s29], [sflag:$0x1] =	stream.indirect_vreg.gather [hbm4b:s5+s3], $0x80, v3, vm0, $0xb8;
	[tilespmem:$0x18100] =	vst v63  }
0xf3: {  	_ = 	snop  }
0xf4: {  	[tilespmem:s30], [sflag:$0x1] =	stream.indirect_vreg.gather [hbm4b:s6+s3], $0x80, v3, vm0, $0xb8;
	[tilespmem:$0x18100] =	vst v63  }
0xf5: {  	v3 =	vld [tilespmem:$0xB0];
	_ =	sdelay $0x4  }
0xf6: {  	v59 =	vshrl.u32 v3, $0x3  }
0xf7: {  	v4 =	vmul.u32 $0x30, v59  }
0xf8: {  	v3 =	vand.u32 $0x7, v3  }
0xf9: {  	v3 =	vor.u32 v3, v4  }
0xfa: {  	v4 =	vperm.xlane v3, v0;
	_ =	sdelay $0x1  }
0xfb: {  	v4 =	vadd.s32 v1, v4;
	_ =	sdelay $0x3  }
0xfc: {  	v3 =	vperm.xlane v3, v2  }
0xfd: {  	[tilespmem:s31], [sflag:$0x1] =	stream.indirect_vreg.gather [hbm4b:s1+s3], $0x80, v4, vm0, $0xb8;
	[tilespmem:$0x18100] =	vst v63  }
0xfe: {  	v3 =	vadd.s32 v1, v3  }
0xff: {  	[tilespmem:s2], [sflag:$0x1] =	stream.indirect_vreg.gather [hbm4b:s5+s3], $0x80, v4, vm0, $0xb8;
	[tilespmem:$0x18100] =	vst v63  }
0x100: {  	s13 =	simm.s32 $0xA100  }
0x101: {  	[tilespmem:s13], [sflag:$0x1] =	stream.indirect_vreg.gather [hbm4b:s6+s3], $0x80, v4, vm0, $0xb8;
	[tilespmem:$0x18100] =	vst v63  }
0x102: {  	_ = 	snop  }
0x103: {  	[tilespmem:s9], [sflag:$0x1] =	stream.indirect_vreg.gather [hbm4b:s1+s3], $0x80, v3, vm0, $0xb8;
	[tilespmem:$0x18100] =	vst v63  }
0x104: {  	s14 =	simm.s32 $0xB100  }
0x105: {  	[tilespmem:s14], [sflag:$0x1] =	stream.indirect_vreg.gather [hbm4b:s5+s3], $0x80, v3, vm0, $0xb8;
	[tilespmem:$0x18100] =	vst v63  }
0x106: {  	s2 =	simm.s32 $0x2  }
0x107: {  	[tilespmem:s10], [sflag:$0x1] =	stream.indirect_vreg.gather [hbm4b:s6+s3], $0x80, v3, vm0, $0xb8;
	[tilespmem:$0x18100] =	vst v63  }
0x108: {  	_ =	swait.ge [sflag:s2], $0xC000  }
0x109: {  	[sflag:s2] =	ssyncset.done $0x0  }
0x10a: {  	s7 =	rddreg [dreg:$0x5];
	[sflag:s2] =	ssyncadd.s32 $0xFFFF4000  }
0x10b: {  	[hbm4b:s7+s3] =	stream.linear.scatter [tilespmem:s11], [sflag:$0x3], $0xC000, $0x38;
	[tilespmem:$0x18100] =	vst v63  }
0x10c: {  	_ =	swait.ge [sflag:s8], $0xC000  }
0x10d: {  	[sflag:s8] =	ssyncset.done $0x0  }
0x10e: {  	[sflag:s8] =	ssyncadd.s32 $0xFFFF4000  }
0x10f: {  	v3 =	vld [tilespmem:$0xC0];
	_ =	sdelay $0x4  }
0x110: {  	v60 =	vshrl.u32 v3, $0x3  }
0x111: {  	v4 =	vmul.u32 $0x30, v60  }
0x112: {  	v3 =	vand.u32 $0x7, v3  }
0x113: {  	v3 =	vor.u32 v3, v4  }
0x114: {  	v4 =	vperm.xlane v3, v0;
	_ =	sdelay $0x1  }
0x115: {  	v4 =	vadd.s32 v1, v4;
	_ =	sdelay $0x3  }
0x116: {  	v3 =	vperm.xlane v3, v2  }
0x117: {  	[tilespmem:s11], [sflag:$0x2] =	stream.indirect_vreg.gather [hbm4b:s1+s3], $0x80, v4, vm0, $0xb8;
	[tilespmem:$0x18100] =	vst v63  }
0x118: {  	s13 =	simm.s32 $0xC900;
	v3 =	vadd.s32 v1, v3  }
0x119: {  	[tilespmem:s13], [sflag:$0x2] =	stream.indirect_vreg.gather [hbm4b:s5+s3], $0x80, v4, vm0, $0xb8;
	[tilespmem:$0x18100] =	vst v63  }
0x11a: {  	s14 =	simm.s32 $0xD100  }
0x11b: {  	[tilespmem:s14], [sflag:$0x2] =	stream.indirect_vreg.gather [hbm4b:s6+s3], $0x80, v4, vm0, $0xb8;
	[tilespmem:$0x18100] =	vst v63  }
0x11c: {  	s12 =	simm.s32 $0xD900  }
0x11d: {  	[tilespmem:s12], [sflag:$0x2] =	stream.indirect_vreg.gather [hbm4b:s1+s3], $0x80, v3, vm0, $0xb8;
	[tilespmem:$0x18100] =	vst v63  }
0x11e: {  	s13 =	simm.s32 $0xE100  }
0x11f: {  	[tilespmem:s13], [sflag:$0x2] =	stream.indirect_vreg.gather [hbm4b:s5+s3], $0x80, v3, vm0, $0xb8;
	[tilespmem:$0x18100] =	vst v63  }
0x120: {  	s14 =	simm.s32 $0xE900  }
0x121: {  	[tilespmem:s14], [sflag:$0x2] =	stream.indirect_vreg.gather [hbm4b:s6+s3], $0x80, v3, vm0, $0xb8;
	[tilespmem:$0x18100] =	vst v63  }
0x122: {  	v3 =	vld [tilespmem:$0xD0];
	_ =	sdelay $0x4  }
0x123: {  	v61 =	vshrl.u32 v3, $0x3  }
0x124: {  	v4 =	vmul.u32 $0x30, v61  }
0x125: {  	v3 =	vand.u32 $0x7, v3  }
0x126: {  	v3 =	vor.u32 v3, v4  }
0x127: {  	v4 =	vperm.xlane v3, v0;
	_ =	sdelay $0x1  }
0x128: {  	v4 =	vadd.s32 v1, v4;
	_ =	sdelay $0x3  }
0x129: {  	s12 =	simm.s32 $0xF100;
	v3 =	vperm.xlane v3, v2  }
0x12a: {  	[tilespmem:s12], [sflag:$0x2] =	stream.indirect_vreg.gather [hbm4b:s1+s3], $0x80, v4, vm0, $0xb8;
	[tilespmem:$0x18100] =	vst v63  }
0x12b: {  	s13 =	simm.s32 $0xF900;
	v3 =	vadd.s32 v1, v3  }
0x12c: {  	[tilespmem:s13], [sflag:$0x2] =	stream.indirect_vreg.gather [hbm4b:s5+s3], $0x80, v4, vm0, $0xb8;
	[tilespmem:$0x18100] =	vst v63  }
0x12d: {  	s14 =	simm.s32 $0x10100  }
0x12e: {  	[tilespmem:s14], [sflag:$0x2] =	stream.indirect_vreg.gather [hbm4b:s6+s3], $0x80, v4, vm0, $0xb8;
	[tilespmem:$0x18100] =	vst v63  }
0x12f: {  	s12 =	simm.s32 $0x10900  }
0x130: {  	[tilespmem:s12], [sflag:$0x2] =	stream.indirect_vreg.gather [hbm4b:s1+s3], $0x80, v3, vm0, $0xb8;
	[tilespmem:$0x18100] =	vst v63  }
0x131: {  	s13 =	simm.s32 $0x11100  }
0x132: {  	[tilespmem:s13], [sflag:$0x2] =	stream.indirect_vreg.gather [hbm4b:s5+s3], $0x80, v3, vm0, $0xb8;
	[tilespmem:$0x18100] =	vst v63  }
0x133: {  	s14 =	simm.s32 $0x11900  }
0x134: {  	[tilespmem:s14], [sflag:$0x2] =	stream.indirect_vreg.gather [hbm4b:s6+s3], $0x80, v3, vm0, $0xb8;
	[tilespmem:$0x18100] =	vst v63  }
0x135: {  	v3 =	vld [tilespmem:$0xE0];
	_ =	sdelay $0x4  }
0x136: {  	v62 =	vshrl.u32 v3, $0x3  }
0x137: {  	v4 =	vmul.u32 $0x30, v62  }
0x138: {  	v3 =	vand.u32 $0x7, v3  }
0x139: {  	v3 =	vor.u32 v3, v4  }
0x13a: {  	v4 =	vperm.xlane v3, v0;
	_ =	sdelay $0x1  }
0x13b: {  	v4 =	vadd.s32 v1, v4;
	_ =	sdelay $0x3  }
0x13c: {  	s12 =	simm.s32 $0x12100;
	v3 =	vperm.xlane v3, v2  }
0x13d: {  	[tilespmem:s12], [sflag:$0x2] =	stream.indirect_vreg.gather [hbm4b:s1+s3], $0x80, v4, vm0, $0xb8;
	[tilespmem:$0x18100] =	vst v63  }
0x13e: {  	s13 =	simm.s32 $0x12900;
	v3 =	vadd.s32 v1, v3  }
0x13f: {  	[tilespmem:s13], [sflag:$0x2] =	stream.indirect_vreg.gather [hbm4b:s5+s3], $0x80, v4, vm0, $0xb8;
	[tilespmem:$0x18100] =	vst v63  }
0x140: {  	s14 =	simm.s32 $0x13100  }
0x141: {  	[tilespmem:s14], [sflag:$0x2] =	stream.indirect_vreg.gather [hbm4b:s6+s3], $0x80, v4, vm0, $0xb8;
	[tilespmem:$0x18100] =	vst v63  }
0x142: {  	s12 =	simm.s32 $0x13900  }
0x143: {  	[tilespmem:s12], [sflag:$0x2] =	stream.indirect_vreg.gather [hbm4b:s1+s3], $0x80, v3, vm0, $0xb8;
	[tilespmem:$0x18100] =	vst v63  }
0x144: {  	s13 =	simm.s32 $0x14100  }
0x145: {  	[tilespmem:s13], [sflag:$0x2] =	stream.indirect_vreg.gather [hbm4b:s5+s3], $0x80, v3, vm0, $0xb8;
	[tilespmem:$0x18100] =	vst v63  }
0x146: {  	s14 =	simm.s32 $0x14900  }
0x147: {  	[tilespmem:s14], [sflag:$0x2] =	stream.indirect_vreg.gather [hbm4b:s6+s3], $0x80, v3, vm0, $0xb8;
	[tilespmem:$0x18100] =	vst v63  }
0x148: {  	v3 =	vld [tilespmem:$0xF0];
	_ =	sdelay $0x4  }
0x149: {  	v63 =	vshrl.u32 v3, $0x3  }
0x14a: {  	v4 =	vmul.u32 $0x30, v63  }
0x14b: {  	v3 =	vand.u32 $0x7, v3  }
0x14c: {  	v3 =	vor.u32 v3, v4  }
0x14d: {  	v4 =	vperm.xlane v3, v0;
	_ =	sdelay $0x1  }
0x14e: {  	v4 =	vadd.s32 v1, v4;
	_ =	sdelay $0x3  }
0x14f: {  	s12 =	simm.s32 $0x15100;
	v3 =	vperm.xlane v3, v2  }
0x150: {  	[tilespmem:s12], [sflag:$0x2] =	stream.indirect_vreg.gather [hbm4b:s1+s3], $0x80, v4, vm0, $0xb8;
	[tilespmem:$0x18100] =	vst v63  }
0x151: {  	s13 =	simm.s32 $0x15900;
	v3 =	vadd.s32 v1, v3  }
0x152: {  	[tilespmem:s13], [sflag:$0x2] =	stream.indirect_vreg.gather [hbm4b:s5+s3], $0x80, v4, vm0, $0xb8;
	[tilespmem:$0x18100] =	vst v63  }
0x153: {  	s14 =	simm.s32 $0x16100  }
0x154: {  	[tilespmem:s14], [sflag:$0x2] =	stream.indirect_vreg.gather [hbm4b:s6+s3], $0x80, v4, vm0, $0xb8;
	[tilespmem:$0x18100] =	vst v63  }
0x155: {  	s12 =	simm.s32 $0x16900  }
0x156: {  	[tilespmem:s12], [sflag:$0x2] =	stream.indirect_vreg.gather [hbm4b:s1+s3], $0x80, v3, vm0, $0xb8;
	[tilespmem:$0x18100] =	vst v63  }
0x157: {  	s13 =	simm.s32 $0x17100  }
0x158: {  	[tilespmem:s13], [sflag:$0x2] =	stream.indirect_vreg.gather [hbm4b:s5+s3], $0x80, v3, vm0, $0xb8;
	[tilespmem:$0x18100] =	vst v63  }
0x159: {  	s14 =	simm.s32 $0x17900  }
0x15a: {  	[tilespmem:s14], [sflag:$0x2] =	stream.indirect_vreg.gather [hbm4b:s6+s3], $0x80, v3, vm0, $0xb8;
	[tilespmem:$0x18100] =	vst v63  }
0x15b: {  	_ =	swait.ge [sflag:s0], $0xC000  }
0x15c: {  	[sflag:s0] =	ssyncset.done $0x0  }
0x15d: {  	s13 =	simm.s32 $0x100;
	s7 =	rddreg [dreg:$0x6];
	[sflag:s0] =	ssyncadd.s32 $0xFFFF4000  }
0x15e: {  	[hbm4b:s7+s3] =	stream.linear.scatter [tilespmem:s13], [sflag:$0x3], $0xC000, $0x38;
	[tilespmem:$0x18100] =	vst v63  }
0x15f: {  	_ =	swait.ge [sflag:s8], $0xC000  }
0x160: {  	[sflag:s8] =	ssyncset.done $0x0  }
0x161: {  	[sflag:s8] =	ssyncadd.s32 $0xFFFF4000  }
0x162: {  	_ =	swait.ge [sflag:s2], $0xC000  }
0x163: {  	p0 =	sne.s32 s4, $0x1;
	[sflag:s2] =	ssyncset.done $0x0  }
.Ltmp0:
0x164: {  	s14 =	rddreg [dreg:$0x7];
	[sflag:s2] =	ssyncadd.s32 $0xFFFF4000;
	(pc) =	sbr.rel @p0 .LBB2_1-.Ltmp0, $4  }
0x165: {  	[hbm4b:s14+s3] =	stream.linear.scatter [tilespmem:s11], [sflag:$0x3], $0xC000, $0x38;
	[tilespmem:$0x18100] =	vst v63  }
0x166: {  	_ =	swait.ge [sflag:s8], $0xC000  }
0x167: {  	[sflag:s8] =	ssyncset.done $0x0  }
0x168: {  	s4 =	sadd.s32 $0xFFFFFFFF, s4;
	[sflag:s8] =	ssyncadd.s32 $0xFFFF4000  }
0x169: {  	_ =	sfence.sel $0x180000  }
0x16a: {  	[bflag:$0x0] =	sbarrier.arrive $0xFFFF  }
0x16b: {  	_ =	strace $0x9000004A  }
0x16c: {  	s0 =	stileid.u32;
	[bflag:$0x2] =	sbarrier.arrive $0xFFFF  }
0x16d: {  	p0 =	sne.s32 s0, $0x0;
	s0 =	rddreg [dreg:$0x3]  }
0x16e: {  	s0 =	sadd.s32 @!p0 $0x100000, s0  }
0x16f: {  	[sflag:s0] =	ssyncadd.tile.s32 @!p0 $0x1;
	_ =	shalt  }
.Lfunc_end2:
_tile_overlayer_lowered:
.L_overlay_start_2:
0x170: {  	(tag) =	ssettag $0x2  }
0x171: {  	s0 =	rddreg [dreg:$0x0];
	s2 =	stileid.u32  }
0x172: {  	s1 =	rddreg [dreg:$0x1];
	p0 =	sne.s32 s2, $0x0  }
0x173: {  	s3 =	rddreg [dreg:$0x2];
	[bflag:$0x3] =	sbarrier.arrive $0xFFFF;
	s2 =	simm.s32 @!p0 $0x1C03  }
0x174: {  	[timem:s3], [sflag:s2] =	dma.local @!p0 [hbm:s0], s1  }
0x175: {  	s0 =	simm.s32 @!p0 $0x3  }
0x176: {  	_ =	swait.ge @!p0 [sflag:s0], s1  }
0x177: {  	s1 =	ssub.s32 @!p0 $0x0, s1;
	[sflag:s0] =	ssyncset.done @!p0 $0x0  }
0x178: {  	[sflag:s0] =	ssyncadd.s32 @!p0 s1  }
0x179: {  	[bflag:$0x3] =	sbarrier.arrive $0xFFFF  }
0x17a: {  	_ =	shalt  }

</sc_bundles>
